<compile_context>
chip_gen: v7x
topology: tpu7x:2x2x1
jax: 0.10.2.dev20260603
libtpu: 0.0.44.dev20260713+nightly
codegen_flags: <defaults>
</compile_context>

<pallas_src>
import functools

import jax
import jax.numpy as jnp
from jax import lax
from jax.experimental import pallas as pl
from jax.experimental.pallas import tpu as pltpu
from jax.experimental.pallas import tpu_sc as plsc

_L = 16


def _make_emb_kernel(batch, seq_len, d_model, n_workers, num_cores):
    n_rows = batch * seq_len
    rows_per_worker = n_rows // n_workers
    n_chunks = rows_per_worker // seq_len
    n_slices = d_model // _L
    n_gath = (seq_len + _L - 1) // _L
    gather_rows = n_gath * _L

    mesh = plsc.VectorSubcoreMesh(core_axis_name="c", subcore_axis_name="s")
    nbuf = 2
    row_tiling = (8, 128)

    @functools.partial(
        pl.kernel,
        mesh=mesh,
        out_type=jax.ShapeDtypeStruct((batch * seq_len * d_model,), jnp.float32),
        compiler_params=pltpu.CompilerParams(use_tc_tiling_on_sc=False),
        scratch_types=[
            pltpu.VMEM((rows_per_worker + _L,), jnp.int32),
            pltpu.VMEM((seq_len * d_model,), jnp.float32),
            pltpu.VMEM((gather_rows, d_model), jnp.float32),
            pltpu.VMEM((gather_rows, d_model), jnp.float32),
            pltpu.VMEM((seq_len * d_model,), jnp.float32),
            pltpu.VMEM((seq_len * d_model,), jnp.float32),
            pltpu.SemaphoreType.DMA,
            pltpu.SemaphoreType.DMA,
            pltpu.SemaphoreType.DMA,
            pltpu.SemaphoreType.DMA,
        ],
    )
    def emb(ids_hbm, table_hbm, pos_hbm, out_hbm,
            idx_v, pos_v, rows0, rows1, st0, st1, g0, g1, s0, s1):
        wid = lax.axis_index("s") * num_cores + lax.axis_index("c")
        base = wid * rows_per_worker
        pltpu.sync_copy(ids_hbm.at[pl.ds(base, rows_per_worker)],
                        idx_v.at[pl.ds(0, rows_per_worker)])
        idx_v[pl.ds(rows_per_worker, _L)] = jnp.zeros((_L,), jnp.int32)
        pltpu.sync_copy(pos_hbm.at[pl.ds(0, seq_len * d_model)], pos_v)

        if True:
            rows = [rows0, rows1]
            stage = [st0, st1]
            gsems = [g0, g1]
            ssems = [s0, s1]

            def fire_gather(c, slot):
                ioff = pl.multiple_of(c * seq_len, 8)

                @pl.loop(0, n_gath)
                def _(j):
                    ivec = idx_v[pl.ds(ioff + _L * j, _L)]
                    pltpu.make_async_copy(
                        table_hbm.at[ivec],
                        rows[slot].at[pl.ds(pl.multiple_of(_L * j, 8), _L)],
                        gsems[slot]).start()

            def wait_gather(slot):
                pltpu.make_async_copy(
                    table_hbm.at[pl.ds(0, gather_rows)],
                    rows[slot],
                    gsems[slot]).wait()

            def store_copy(c, slot):
                ooff = pl.multiple_of((base + c * seq_len) * d_model,  8)
                return pltpu.make_async_copy(
                    stage[slot],
                    out_hbm.at[pl.ds(ooff, seq_len * d_model)],
                    ssems[slot])

            def add_pos(slot):
                buf = rows[slot]
                st = stage[slot]

                def body(i, _):
                    for k in range(n_slices):
                        o = pl.ds(i * d_model + k * _L, _L)
                        st[o] = buf[i, pl.ds(k * _L, _L)] + pos_v[o]
                    return 0

                lax.fori_loop(0, seq_len, body, 0)

            def run_chunk(c, slot, nxt, fire_next, wait_store):
                if fire_next:
                    if wait_store == "always":
                        store_copy(c - 1, nxt).wait()
                    elif wait_store == "when":
                        @pl.when(c >= 1)
                        def _():
                            store_copy(c - 1, nxt).wait()
                    fire_gather(c + 1, nxt)
                wait_gather(slot)
                add_pos(slot)
                store_copy(c, slot).start()

            fire_gather(0, 0)

            @pl.loop(0, n_chunks - nbuf, step=nbuf)
            def _(g):
                run_chunk(g, 0, 1, True, "when")
                run_chunk(g + 1, 1, 0, True, "always")

            for b in range(nbuf):
                c = n_chunks - nbuf + b
                run_chunk(c, c % nbuf, (c + 1) % nbuf, b + 1 < nbuf, "always")

            for b in range(nbuf):
                store_copy(n_chunks - nbuf + b, (n_chunks - nbuf + b) % nbuf).wait()


    return emb


def kernel(token_ids, token_table, pos_table):
    batch, seq_len = token_ids.shape
    vocab, d_model = token_table.shape
    n_rows = batch * seq_len
    n_workers = 32
    ids_flat = token_ids.reshape(n_rows).astype(jnp.int32)
    pos_flat = pos_table[:seq_len].reshape(seq_len * d_model)
    emb = _make_emb_kernel(batch, seq_len, d_model, n_workers, num_cores=2)
    out_flat = emb(ids_flat, token_table, pos_flat)
    return out_flat.reshape(batch, seq_len, d_model)

# --- scband reference (transcript-rebuilt; emitter-appended) ---
"""Pipeline reference for scband-embeddings-31361851195602 (READ-ONLY COPY).

The authoritative reference and input builder live on the scoring server;
editing this copy changes nothing except your own understanding.
"""

import jax, jax.numpy as jnp
import numpy as np

VOCAB_SIZE = 1000000
MAX_SEQ_LEN = 2048
D_MODEL = 64
BATCH = 1024
SEQ_LEN = 200


def setup_inputs(seed: int = 0) -> dict:
    key = jax.random.key(seed)
    k1, k2, k3 = jax.random.split(key, 3)
    token_ids = jax.random.randint(k1, (BATCH, SEQ_LEN), 0, VOCAB_SIZE, dtype=jnp.int64 if jax.config.jax_enable_x64 else jnp.int32)
    token_table = jax.random.normal(k2, (VOCAB_SIZE, D_MODEL), dtype=jnp.float32) * 0.02
    pos_table = jax.random.normal(k3, (MAX_SEQ_LEN, D_MODEL), dtype=jnp.float32) * 0.02
    return {"token_ids": token_ids, "token_table": token_table, "pos_table": pos_table}


def reference(token_ids, token_table, pos_table):
    batch_size, seq_len = token_ids.shape
    tokens = jnp.take(token_table, token_ids, axis=0)  # [B, S, D] gather
    positions = jnp.arange(seq_len)
    pos = jnp.take(pos_table, positions, axis=0)  # [S, D]
    return tokens + pos[None, :, :]

if __name__ == "__main__":
    import jax
    _d = setup_inputs()
    print(jax.jit(kernel)(*tuple(_d.values())))

</pallas_src>

<mosaic_0001>
#map = affine_map<(d0, d1) -> (0)>
#map1 = affine_map<(d0, d1) -> (0, 0)>
module attributes {stable_mosaic.version = 14 : i64} {
  func.func @emb(%arg0: i32, %arg1: i32, %arg2: memref<204800xi32, #tpu.memory_space<hbm>>, %arg3: memref<1000000x64xf32, #tpu.memory_space<hbm>>, %arg4: memref<12800xf32, #tpu.memory_space<hbm>>, %arg5: memref<13107200xf32, #tpu.memory_space<hbm>>, %arg6: memref<6416xi32, #tpu.memory_space<vmem>>, %arg7: memref<12800xf32, #tpu.memory_space<vmem>>, %arg8: memref<208x64xf32, #tpu.memory_space<vmem>>, %arg9: memref<208x64xf32, #tpu.memory_space<vmem>>, %arg10: memref<12800xf32, #tpu.memory_space<vmem>>, %arg11: memref<12800xf32, #tpu.memory_space<vmem>>, %arg12: memref<!tpu.dma_semaphore, #tpu.memory_space<semaphore_mem>>, %arg13: memref<!tpu.dma_semaphore, #tpu.memory_space<semaphore_mem>>, %arg14: memref<!tpu.dma_semaphore, #tpu.memory_space<semaphore_mem>>, %arg15: memref<!tpu.dma_semaphore, #tpu.memory_space<semaphore_mem>>) attributes {dimension_semantics = [#tpu.dimension_semantics<core_parallel>, #tpu.dimension_semantics<subcore_parallel>], iteration_bounds = array<i64: 2, 16>, scalar_prefetch = 0 : i64, scratch_operands = 10 : i64, tpu.core_type = #tpu.core_type<sc_vector_subcore>, window_params = [{transform_indices = #map}, {transform_indices = #map1}, {transform_indices = #map}, {transform_indices = #map}]} {
    %mul3A = arith.constant 2 : i32
    %mul3A_0 = arith.muli %arg1, %mul3A : i32
    %add3A = arith.addi %mul3A_0, %arg0 : i32
    %mul3A_1 = arith.constant 6400 : i32
    %mul3A_2 = arith.muli %add3A, %mul3A_1 : i32
    "tpu.region"() ({
      %run_scoped3A = tpu.sem_alloc : memref<!tpu.dma_semaphore, #tpu.memory_space<semaphore_mem>>
      %dma_start3A_83 = arith.constant 0 : i32
      %dma_start3A_84 = tpu.memref_slice %arg6[%dma_start3A_83] : memref<6416xi32, #tpu.memory_space<vmem>> -> memref<6400xi32, #tpu.memory_space<vmem>>
      %dma_start3A_85 = tpu.memref_slice %arg2[%mul3A_2] : memref<204800xi32, #tpu.memory_space<hbm>> -> memref<6400xi32, #tpu.memory_space<hbm>>
      %dma_start3A_86 = arith.constant 0 : i32
      %dma_start3A_87 = tpu.memref_slice %arg6[%dma_start3A_86] : memref<6416xi32, #tpu.memory_space<vmem>> -> memref<6400xi32, #tpu.memory_space<vmem>>
      %dma_start3A_88 = tpu.memref_slice %arg2[%mul3A_2] : memref<204800xi32, #tpu.memory_space<hbm>> -> memref<6400xi32, #tpu.memory_space<hbm>>
      tpu.enqueue_dma source(%dma_start3A_88 : memref<6400xi32, #tpu.memory_space<hbm>>) target(%dma_start3A_87 : memref<6400xi32, #tpu.memory_space<vmem>>) target_semaphore(%run_scoped3A : memref<!tpu.dma_semaphore, #tpu.memory_space<semaphore_mem>>)
      %dma_wait3A_89 = arith.constant 0 : i32
      %dma_wait3A_90 = tpu.memref_slice %arg6[%dma_wait3A_89] : memref<6416xi32, #tpu.memory_space<vmem>> -> memref<6400xi32, #tpu.memory_space<vmem>>
      %dma_wait3A_91 = tpu.memref_slice %arg2[%mul3A_2] : memref<204800xi32, #tpu.memory_space<hbm>> -> memref<6400xi32, #tpu.memory_space<hbm>>
      %dma_wait3A_92 = arith.constant 0 : i32
      %dma_wait3A_93 = tpu.memref_slice %arg6[%dma_wait3A_92] : memref<6416xi32, #tpu.memory_space<vmem>> -> memref<6400xi32, #tpu.memory_space<vmem>>
      %dma_wait3A_94 = tpu.memref_slice %arg2[%mul3A_2] : memref<204800xi32, #tpu.memory_space<hbm>> -> memref<6400xi32, #tpu.memory_space<hbm>>
      tpu.wait_dma2 semaphore(%run_scoped3A : memref<!tpu.dma_semaphore, #tpu.memory_space<semaphore_mem>>) src(%dma_wait3A_94 : memref<6400xi32, #tpu.memory_space<hbm>>) dst(%dma_wait3A_93 : memref<6400xi32, #tpu.memory_space<vmem>>)
      tpu.yield
    }) : () -> ()
    %broadcast_in_dim3A = arith.constant 0 : i32
    %broadcast_in_dim3A_3 = vector.broadcast %broadcast_in_dim3A : i32 to vector<16xi32>
    %swap3A = arith.constant 6400 : index
    %swap3A_4 = tpu.vector_load %arg6[%swap3A] {strides = array<i32>} : memref<6416xi32, #tpu.memory_space<vmem>>, vector<16xi32>,
    %swap3A_5 = vector.shape_cast %swap3A_4 : vector<16xi32> to vector<16xi32>
    %swap3A_6 = vector.shape_cast %broadcast_in_dim3A_3 : vector<16xi32> to vector<16xi32>
    tpu.vector_store %arg6[%swap3A], %swap3A_6 {strides = array<i32>} : memref<6416xi32, #tpu.memory_space<vmem>>, vector<16xi32>,
    "tpu.region"() ({
      %run_scoped3A = tpu.sem_alloc : memref<!tpu.dma_semaphore, #tpu.memory_space<semaphore_mem>>
      %dma_start3A_83 = arith.constant 0 : i32
      %dma_start3A_84 = tpu.memref_slice %arg4[%dma_start3A_83] : memref<12800xf32, #tpu.memory_space<hbm>> -> memref<12800xf32, #tpu.memory_space<hbm>>
      %dma_start3A_85 = arith.constant 0 : i32
      %dma_start3A_86 = tpu.memref_slice %arg4[%dma_start3A_85] : memref<12800xf32, #tpu.memory_space<hbm>> -> memref<12800xf32, #tpu.memory_space<hbm>>
      tpu.enqueue_dma source(%dma_start3A_86 : memref<12800xf32, #tpu.memory_space<hbm>>) target(%arg7 : memref<12800xf32, #tpu.memory_space<vmem>>) target_semaphore(%run_scoped3A : memref<!tpu.dma_semaphore, #tpu.memory_space<semaphore_mem>>)
      %dma_wait3A_87 = arith.constant 0 : i32
      %dma_wait3A_88 = tpu.memref_slice %arg4[%dma_wait3A_87] : memref<12800xf32, #tpu.memory_space<hbm>> -> memref<12800xf32, #tpu.memory_space<hbm>>
      %dma_wait3A_89 = arith.constant 0 : i32
      %dma_wait3A_90 = tpu.memref_slice %arg4[%dma_wait3A_89] : memref<12800xf32, #tpu.memory_space<hbm>> -> memref<12800xf32, #tpu.memory_space<hbm>>
      tpu.wait_dma2 semaphore(%run_scoped3A : memref<!tpu.dma_semaphore, #tpu.memory_space<semaphore_mem>>) src(%dma_wait3A_90 : memref<12800xf32, #tpu.memory_space<hbm>>) dst(%arg7 : memref<12800xf32, #tpu.memory_space<vmem>>)
      tpu.yield
    }) : () -> ()
    %multiple_of3A = arith.constant 0 : i32
    %multiple_of3A_7 = tpu.assume_multiple %multiple_of3A, 8 : i32
    %scan3A = arith.constant 0 : i32
    %scan3A_8 = arith.constant 13 : i32
    %scan3A_9 = arith.addi %scan3A, %scan3A_8 : i32
    %scan3A_10 = arith.constant 1 : i32
    scf.for %scan3A_83 = %scan3A to %scan3A_9 step %scan3A_10  : i32 {
      %mul3A_84 = arith.constant 1 : i32
      %mul3A_85 = arith.muli %scan3A_83, %mul3A_84 : i32
      %add3A_86 = arith.constant 0 : i32
      %add3A_87 = arith.addi %add3A_86, %mul3A_85 : i32
      %mul3A_88 = arith.constant 16 : i32
      %mul3A_89 = arith.muli %mul3A_88, %add3A_87 : i32
      %add3A_90 = arith.addi %multiple_of3A_7, %mul3A_89 : i32
      %get3A = arith.index_cast %add3A_90 : i32 to index
      %get3A_91 = tpu.vector_load %arg6[%get3A] {strides = array<i32>} : memref<6416xi32, #tpu.memory_space<vmem>>, vector<16xi32>,
      %get3A_92 = vector.shape_cast %get3A_91 : vector<16xi32> to vector<16xi32>
      %mul3A_93 = arith.constant 16 : i32
      %mul3A_94 = arith.muli %mul3A_93, %add3A_87 : i32
      %multiple_of3A_95 = tpu.assume_multiple %mul3A_94, 8 : i32
      %dma_start3A_96 = arith.constant 0 : i32
      %dma_start3A_97 = tpu.memref_slice %arg8[%multiple_of3A_95, %dma_start3A_96] : memref<208x64xf32, #tpu.memory_space<vmem>> -> memref<16x64xf32, #tpu.memory_space<vmem>>
      %dma_start3A_98 = arith.constant 0 : i32
      %dma_start3A_99 = arith.constant 0 : i32
      %dma_start3A_100 = tpu.memref_slice %arg3[%dma_start3A_98, %dma_start3A_99] : memref<1000000x64xf32, #tpu.memory_space<hbm>> -> memref<1000000x64xf32, #tpu.memory_space<hbm>>
      tpu.enqueue_indirect_dma source(%dma_start3A_100 : memref<1000000x64xf32, #tpu.memory_space<hbm>>) target(%dma_start3A_97 : memref<16x64xf32, #tpu.memory_space<vmem>>) offsets(%get3A_92 : vector<16xi32>) semaphore(%arg12 : memref<!tpu.dma_semaphore, #tpu.memory_space<semaphore_mem>>)
    }
    %scan3A_11 = arith.constant 13 : i32
    %scan3A_12 = arith.constant 0 : i32
    %scan3A_13 = arith.constant 15 : i32
    %scan3A_14 = arith.addi %scan3A_12, %scan3A_13 : i32
    %scan3A_15 = arith.constant 1 : i32
    scf.for %scan3A_83 = %scan3A_12 to %scan3A_14 step %scan3A_15  : i32 {
      %mul3A_84 = arith.constant 2 : i32
      %mul3A_85 = arith.muli %scan3A_83, %mul3A_84 : i32
      %add3A_86 = arith.constant 0 : i32
      %add3A_87 = arith.addi %add3A_86, %mul3A_85 : i32
      %ge3A = arith.constant 1 : i32
      %ge3A_88 = arith.cmpi sge, %add3A_87, %ge3A : i32
      %convert_element_type3A = arith.extui %ge3A_88 : i1 to i32
      %cond3A = arith.constant 0 : i32
      %cond3A_89 = arith.cmpi ne, %convert_element_type3A, %cond3A : i32
      scf.if %cond3A_89 {
        %sub3A_163 = arith.constant 1 : i32
        %sub3A_164 = arith.subi %add3A_87, %sub3A_163 : i32
        %mul3A_165 = arith.constant 200 : i32
        %mul3A_166 = arith.muli %sub3A_164, %mul3A_165 : i32
        %add3A_167 = arith.addi %mul3A_2, %mul3A_166 : i32
        %mul3A_168 = arith.constant 64 : i32
        %mul3A_169 = arith.muli %add3A_167, %mul3A_168 : i32
        %multiple_of3A_170 = tpu.assume_multiple %mul3A_169, 8 : i32
        %dma_wait3A_171 = tpu.memref_slice %arg5[%multiple_of3A_170] : memref<13107200xf32, #tpu.memory_space<hbm>> -> memref<12800xf32, #tpu.memory_space<hbm>>
        %dma_wait3A_172 = tpu.memref_slice %arg5[%multiple_of3A_170] : memref<13107200xf32, #tpu.memory_space<hbm>> -> memref<12800xf32, #tpu.memory_space<hbm>>
        tpu.wait_dma2 semaphore(%arg15 : memref<!tpu.dma_semaphore, #tpu.memory_space<semaphore_mem>>) src(%arg11 : memref<12800xf32, #tpu.memory_space<vmem>>) dst(%dma_wait3A_172 : memref<12800xf32, #tpu.memory_space<hbm>>)
      } else {
      }
      %add3A_90 = arith.constant 1 : i32
      %add3A_91 = arith.addi %add3A_87, %add3A_90 : i32
      %mul3A_92 = arith.constant 200 : i32
      %mul3A_93 = arith.muli %add3A_91, %mul3A_92 : i32
      %multiple_of3A_94 = tpu.assume_multiple %mul3A_93, 8 : i32
      %scan3A_95 = arith.constant 0 : i32
      %scan3A_96 = arith.constant 13 : i32
      %scan3A_97 = arith.addi %scan3A_95, %scan3A_96 : i32
      %scan3A_98 = arith.constant 1 : i32
      scf.for %scan3A_163 = %scan3A_95 to %scan3A_97 step %scan3A_98  : i32 {
        %mul3A_164 = arith.constant 1 : i32
        %mul3A_165 = arith.muli %scan3A_163, %mul3A_164 : i32
        %add3A_166 = arith.constant 0 : i32
        %add3A_167 = arith.addi %add3A_166, %mul3A_165 : i32
        %mul3A_168 = arith.constant 16 : i32
        %mul3A_169 = arith.muli %mul3A_168, %add3A_167 : i32
        %add3A_170 = arith.addi %multiple_of3A_94, %mul3A_169 : i32
        %get3A = arith.index_cast %add3A_170 : i32 to index
        %get3A_171 = tpu.vector_load %arg6[%get3A] {strides = array<i32>} : memref<6416xi32, #tpu.memory_space<vmem>>, vector<16xi32>,
        %get3A_172 = vector.shape_cast %get3A_171 : vector<16xi32> to vector<16xi32>
        %mul3A_173 = arith.constant 16 : i32
        %mul3A_174 = arith.muli %mul3A_173, %add3A_167 : i32
        %multiple_of3A_175 = tpu.assume_multiple %mul3A_174, 8 : i32
        %dma_start3A_176 = arith.constant 0 : i32
        %dma_start3A_177 = tpu.memref_slice %arg9[%multiple_of3A_175, %dma_start3A_176] : memref<208x64xf32, #tpu.memory_space<vmem>> -> memref<16x64xf32, #tpu.memory_space<vmem>>
        %dma_start3A_178 = arith.constant 0 : i32
        %dma_start3A_179 = arith.constant 0 : i32
        %dma_start3A_180 = tpu.memref_slice %arg3[%dma_start3A_178, %dma_start3A_179] : memref<1000000x64xf32, #tpu.memory_space<hbm>> -> memref<1000000x64xf32, #tpu.memory_space<hbm>>
        tpu.enqueue_indirect_dma source(%dma_start3A_180 : memref<1000000x64xf32, #tpu.memory_space<hbm>>) target(%dma_start3A_177 : memref<16x64xf32, #tpu.memory_space<vmem>>) offsets(%get3A_172 : vector<16xi32>) semaphore(%arg13 : memref<!tpu.dma_semaphore, #tpu.memory_space<semaphore_mem>>)
      }
      %scan3A_99 = arith.constant 13 : i32
      %dma_wait3A_100 = arith.constant 0 : i32
      %dma_wait3A_101 = arith.constant 0 : i32
      %dma_wait3A_102 = tpu.memref_slice %arg3[%dma_wait3A_100, %dma_wait3A_101] : memref<1000000x64xf32, #tpu.memory_space<hbm>> -> memref<208x64xf32, #tpu.memory_space<hbm>>
      %dma_wait3A_103 = arith.constant 0 : i32
      %dma_wait3A_104 = arith.constant 0 : i32
      %dma_wait3A_105 = tpu.memref_slice %arg3[%dma_wait3A_103, %dma_wait3A_104] : memref<1000000x64xf32, #tpu.memory_space<hbm>> -> memref<208x64xf32, #tpu.memory_space<hbm>>
      tpu.wait_dma2 semaphore(%arg12 : memref<!tpu.dma_semaphore, #tpu.memory_space<semaphore_mem>>) src(%dma_wait3A_105 : memref<208x64xf32, #tpu.memory_space<hbm>>) dst(%arg8 : memref<208x64xf32, #tpu.memory_space<vmem>>)
      %scan3A_106 = arith.constant 0 : i32
      %scan3A_107 = arith.constant 0 : i32
      %scan3A_108 = arith.constant 200 : i32
      %scan3A_109 = arith.addi %scan3A_107, %scan3A_108 : i32
      %scan3A_110 = arith.constant 1 : i32
      %scan3A_111 = scf.for %scan3A_163 = %scan3A_107 to %scan3A_109 step %scan3A_110 iter_args(%scan3A_164 = %scan3A_106) -> (i32)  : i32 {
        %mul3A_165 = arith.constant 64 : i32
        %mul3A_166 = arith.muli %scan3A_163, %mul3A_165 : i32
        %add3A_167 = arith.constant 0 : i32
        %add3A_168 = arith.addi %mul3A_166, %add3A_167 : i32
        %get3A = arith.index_cast %scan3A_163 : i32 to index
        %get3A_169 = arith.constant 0 : index
        %get3A_170 = tpu.vector_load %arg8[%get3A, %get3A_169] {strides = array<i32>} : memref<208x64xf32, #tpu.memory_space<vmem>>, vector<1x16xf32>,
        %get3A_171 = vector.shape_cast %get3A_170 : vector<1x16xf32> to vector<16xf32>
        %get3A_172 = arith.index_cast %add3A_168 : i32 to index
        %get3A_173 = tpu.vector_load %arg7[%get3A_172] {strides = array<i32>} : memref<12800xf32, #tpu.memory_space<vmem>>, vector<16xf32>,
        %get3A_174 = vector.shape_cast %get3A_173 : vector<16xf32> to vector<16xf32>
        %add3A_175 = arith.addf %get3A_171, %get3A_174 : vector<16xf32>
        %swap3A_176 = arith.index_cast %add3A_168 : i32 to index
        %swap3A_177 = tpu.vector_load %arg10[%swap3A_176] {strides = array<i32>} : memref<12800xf32, #tpu.memory_space<vmem>>, vector<16xf32>,
        %swap3A_178 = vector.shape_cast %swap3A_177 : vector<16xf32> to vector<16xf32>
        %swap3A_179 = vector.shape_cast %add3A_175 : vector<16xf32> to vector<16xf32>
        tpu.vector_store %arg10[%swap3A_176], %swap3A_179 {strides = array<i32>} : memref<12800xf32, #tpu.memory_space<vmem>>, vector<16xf32>,
        %mul3A_180 = arith.constant 64 : i32
        %mul3A_181 = arith.muli %scan3A_163, %mul3A_180 : i32
        %add3A_182 = arith.constant 16 : i32
        %add3A_183 = arith.addi %mul3A_181, %add3A_182 : i32
        %get3A_184 = arith.index_cast %scan3A_163 : i32 to index
        %get3A_185 = arith.constant 16 : index
        %get3A_186 = tpu.vector_load %arg8[%get3A_184, %get3A_185] {strides = array<i32>} : memref<208x64xf32, #tpu.memory_space<vmem>>, vector<1x16xf32>,
        %get3A_187 = vector.shape_cast %get3A_186 : vector<1x16xf32> to vector<16xf32>
        %get3A_188 = arith.index_cast %add3A_183 : i32 to index
        %get3A_189 = tpu.vector_load %arg7[%get3A_188] {strides = array<i32>} : memref<12800xf32, #tpu.memory_space<vmem>>, vector<16xf32>,
        %get3A_190 = vector.shape_cast %get3A_189 : vector<16xf32> to vector<16xf32>
        %add3A_191 = arith.addf %get3A_187, %get3A_190 : vector<16xf32>
        %swap3A_192 = arith.index_cast %add3A_183 : i32 to index
        %swap3A_193 = tpu.vector_load %arg10[%swap3A_192] {strides = array<i32>} : memref<12800xf32, #tpu.memory_space<vmem>>, vector<16xf32>,
        %swap3A_194 = vector.shape_cast %swap3A_193 : vector<16xf32> to vector<16xf32>
        %swap3A_195 = vector.shape_cast %add3A_191 : vector<16xf32> to vector<16xf32>
        tpu.vector_store %arg10[%swap3A_192], %swap3A_195 {strides = array<i32>} : memref<12800xf32, #tpu.memory_space<vmem>>, vector<16xf32>,
        %mul3A_196 = arith.constant 64 : i32
        %mul3A_197 = arith.muli %scan3A_163, %mul3A_196 : i32
        %add3A_198 = arith.constant 32 : i32
        %add3A_199 = arith.addi %mul3A_197, %add3A_198 : i32
        %get3A_200 = arith.index_cast %scan3A_163 : i32 to index
        %get3A_201 = arith.constant 32 : index
        %get3A_202 = tpu.vector_load %arg8[%get3A_200, %get3A_201] {strides = array<i32>} : memref<208x64xf32, #tpu.memory_space<vmem>>, vector<1x16xf32>,
        %get3A_203 = vector.shape_cast %get3A_202 : vector<1x16xf32> to vector<16xf32>
        %get3A_204 = arith.index_cast %add3A_199 : i32 to index
        %get3A_205 = tpu.vector_load %arg7[%get3A_204] {strides = array<i32>} : memref<12800xf32, #tpu.memory_space<vmem>>, vector<16xf32>,
        %get3A_206 = vector.shape_cast %get3A_205 : vector<16xf32> to vector<16xf32>
        %add3A_207 = arith.addf %get3A_203, %get3A_206 : vector<16xf32>
        %swap3A_208 = arith.index_cast %add3A_199 : i32 to index
        %swap3A_209 = tpu.vector_load %arg10[%swap3A_208] {strides = array<i32>} : memref<12800xf32, #tpu.memory_space<vmem>>, vector<16xf32>,
        %swap3A_210 = vector.shape_cast %swap3A_209 : vector<16xf32> to vector<16xf32>
        %swap3A_211 = vector.shape_cast %add3A_207 : vector<16xf32> to vector<16xf32>
        tpu.vector_store %arg10[%swap3A_208], %swap3A_211 {strides = array<i32>} : memref<12800xf32, #tpu.memory_space<vmem>>, vector<16xf32>,
        %mul3A_212 = arith.constant 64 : i32
        %mul3A_213 = arith.muli %scan3A_163, %mul3A_212 : i32
        %add3A_214 = arith.constant 48 : i32
        %add3A_215 = arith.addi %mul3A_213, %add3A_214 : i32
        %get3A_216 = arith.index_cast %scan3A_163 : i32 to index
        %get3A_217 = arith.constant 48 : index
        %get3A_218 = tpu.vector_load %arg8[%get3A_216, %get3A_217] {strides = array<i32>} : memref<208x64xf32, #tpu.memory_space<vmem>>, vector<1x16xf32>,
        %get3A_219 = vector.shape_cast %get3A_218 : vector<1x16xf32> to vector<16xf32>
        %get3A_220 = arith.index_cast %add3A_215 : i32 to index
        %get3A_221 = tpu.vector_load %arg7[%get3A_220] {strides = array<i32>} : memref<12800xf32, #tpu.memory_space<vmem>>, vector<16xf32>,
        %get3A_222 = vector.shape_cast %get3A_221 : vector<16xf32> to vector<16xf32>
        %add3A_223 = arith.addf %get3A_219, %get3A_222 : vector<16xf32>
        %swap3A_224 = arith.index_cast %add3A_215 : i32 to index
        %swap3A_225 = tpu.vector_load %arg10[%swap3A_224] {strides = array<i32>} : memref<12800xf32, #tpu.memory_space<vmem>>, vector<16xf32>,
        %swap3A_226 = vector.shape_cast %swap3A_225 : vector<16xf32> to vector<16xf32>
        %swap3A_227 = vector.shape_cast %add3A_223 : vector<16xf32> to vector<16xf32>
        tpu.vector_store %arg10[%swap3A_224], %swap3A_227 {strides = array<i32>} : memref<12800xf32, #tpu.memory_space<vmem>>, vector<16xf32>,
        %scan3A_228 = arith.constant 0 : i32
        scf.yield %scan3A_228 : i32
      }
      %scan3A_112 = arith.constant 200 : i32
      %mul3A_113 = arith.constant 200 : i32
      %mul3A_114 = arith.muli %add3A_87, %mul3A_113 : i32
      %add3A_115 = arith.addi %mul3A_2, %mul3A_114 : i32
      %mul3A_116 = arith.constant 64 : i32
      %mul3A_117 = arith.muli %add3A_115, %mul3A_116 : i32
      %multiple_of3A_118 = tpu.assume_multiple %mul3A_117, 8 : i32
      %dma_start3A_119 = tpu.memref_slice %arg5[%multiple_of3A_118] : memref<13107200xf32, #tpu.memory_space<hbm>> -> memref<12800xf32, #tpu.memory_space<hbm>>
      %dma_start3A_120 = tpu.memref_slice %arg5[%multiple_of3A_118] : memref<13107200xf32, #tpu.memory_space<hbm>> -> memref<12800xf32, #tpu.memory_space<hbm>>
      tpu.enqueue_dma source(%arg10 : memref<12800xf32, #tpu.memory_space<vmem>>) target(%dma_start3A_120 : memref<12800xf32, #tpu.memory_space<hbm>>) target_semaphore(%arg14 : memref<!tpu.dma_semaphore, #tpu.memory_space<semaphore_mem>>)
      %add3A_121 = arith.constant 1 : i32
      %add3A_122 = arith.addi %add3A_87, %add3A_121 : i32
      %sub3A = arith.constant 1 : i32
      %sub3A_123 = arith.subi %add3A_122, %sub3A : i32
      %mul3A_124 = arith.constant 200 : i32
      %mul3A_125 = arith.muli %sub3A_123, %mul3A_124 : i32
      %add3A_126 = arith.addi %mul3A_2, %mul3A_125 : i32
      %mul3A_127 = arith.constant 64 : i32
      %mul3A_128 = arith.muli %add3A_126, %mul3A_127 : i32
      %multiple_of3A_129 = tpu.assume_multiple %mul3A_128, 8 : i32
      %dma_wait3A_130 = tpu.memref_slice %arg5[%multiple_of3A_129] : memref<13107200xf32, #tpu.memory_space<hbm>> -> memref<12800xf32, #tpu.memory_space<hbm>>
      %dma_wait3A_131 = tpu.memref_slice %arg5[%multiple_of3A_129] : memref<13107200xf32, #tpu.memory_space<hbm>> -> memref<12800xf32, #tpu.memory_space<hbm>>
      tpu.wait_dma2 semaphore(%arg14 : memref<!tpu.dma_semaphore, #tpu.memory_space<semaphore_mem>>) src(%arg10 : memref<12800xf32, #tpu.memory_space<vmem>>) dst(%dma_wait3A_131 : memref<12800xf32, #tpu.memory_space<hbm>>)
      %add3A_132 = arith.constant 1 : i32
      %add3A_133 = arith.addi %add3A_122, %add3A_132 : i32
      %mul3A_134 = arith.constant 200 : i32
      %mul3A_135 = arith.muli %add3A_133, %mul3A_134 : i32
      %multiple_of3A_136 = tpu.assume_multiple %mul3A_135, 8 : i32
      %scan3A_137 = arith.constant 0 : i32
      %scan3A_138 = arith.constant 13 : i32
      %scan3A_139 = arith.addi %scan3A_137, %scan3A_138 : i32
      %scan3A_140 = arith.constant 1 : i32
      scf.for %scan3A_163 = %scan3A_137 to %scan3A_139 step %scan3A_140  : i32 {
        %mul3A_164 = arith.constant 1 : i32
        %mul3A_165 = arith.muli %scan3A_163, %mul3A_164 : i32
        %add3A_166 = arith.constant 0 : i32
        %add3A_167 = arith.addi %add3A_166, %mul3A_165 : i32
        %mul3A_168 = arith.constant 16 : i32
        %mul3A_169 = arith.muli %mul3A_168, %add3A_167 : i32
        %add3A_170 = arith.addi %multiple_of3A_136, %mul3A_169 : i32
        %get3A = arith.index_cast %add3A_170 : i32 to index
        %get3A_171 = tpu.vector_load %arg6[%get3A] {strides = array<i32>} : memref<6416xi32, #tpu.memory_space<vmem>>, vector<16xi32>,
        %get3A_172 = vector.shape_cast %get3A_171 : vector<16xi32> to vector<16xi32>
        %mul3A_173 = arith.constant 16 : i32
        %mul3A_174 = arith.muli %mul3A_173, %add3A_167 : i32
        %multiple_of3A_175 = tpu.assume_multiple %mul3A_174, 8 : i32
        %dma_start3A_176 = arith.constant 0 : i32
        %dma_start3A_177 = tpu.memref_slice %arg8[%multiple_of3A_175, %dma_start3A_176] : memref<208x64xf32, #tpu.memory_space<vmem>> -> memref<16x64xf32, #tpu.memory_space<vmem>>
        %dma_start3A_178 = arith.constant 0 : i32
        %dma_start3A_179 = arith.constant 0 : i32
        %dma_start3A_180 = tpu.memref_slice %arg3[%dma_start3A_178, %dma_start3A_179] : memref<1000000x64xf32, #tpu.memory_space<hbm>> -> memref<1000000x64xf32, #tpu.memory_space<hbm>>
        tpu.enqueue_indirect_dma source(%dma_start3A_180 : memref<1000000x64xf32, #tpu.memory_space<hbm>>) target(%dma_start3A_177 : memref<16x64xf32, #tpu.memory_space<vmem>>) offsets(%get3A_172 : vector<16xi32>) semaphore(%arg12 : memref<!tpu.dma_semaphore, #tpu.memory_space<semaphore_mem>>)
      }
      %scan3A_141 = arith.constant 13 : i32
      %dma_wait3A_142 = arith.constant 0 : i32
      %dma_wait3A_143 = arith.constant 0 : i32
      %dma_wait3A_144 = tpu.memref_slice %arg3[%dma_wait3A_142, %dma_wait3A_143] : memref<1000000x64xf32, #tpu.memory_space<hbm>> -> memref<208x64xf32, #tpu.memory_space<hbm>>
      %dma_wait3A_145 = arith.constant 0 : i32
      %dma_wait3A_146 = arith.constant 0 : i32
      %dma_wait3A_147 = tpu.memref_slice %arg3[%dma_wait3A_145, %dma_wait3A_146] : memref<1000000x64xf32, #tpu.memory_space<hbm>> -> memref<208x64xf32, #tpu.memory_space<hbm>>
      tpu.wait_dma2 semaphore(%arg13 : memref<!tpu.dma_semaphore, #tpu.memory_space<semaphore_mem>>) src(%dma_wait3A_147 : memref<208x64xf32, #tpu.memory_space<hbm>>) dst(%arg9 : memref<208x64xf32, #tpu.memory_space<vmem>>)
      %scan3A_148 = arith.constant 0 : i32
      %scan3A_149 = arith.constant 0 : i32
      %scan3A_150 = arith.constant 200 : i32
      %scan3A_151 = arith.addi %scan3A_149, %scan3A_150 : i32
      %scan3A_152 = arith.constant 1 : i32
      %scan3A_153 = scf.for %scan3A_163 = %scan3A_149 to %scan3A_151 step %scan3A_152 iter_args(%scan3A_164 = %scan3A_148) -> (i32)  : i32 {
        %mul3A_165 = arith.constant 64 : i32
        %mul3A_166 = arith.muli %scan3A_163, %mul3A_165 : i32
        %add3A_167 = arith.constant 0 : i32
        %add3A_168 = arith.addi %mul3A_166, %add3A_167 : i32
        %get3A = arith.index_cast %scan3A_163 : i32 to index
        %get3A_169 = arith.constant 0 : index
        %get3A_170 = tpu.vector_load %arg9[%get3A, %get3A_169] {strides = array<i32>} : memref<208x64xf32, #tpu.memory_space<vmem>>, vector<1x16xf32>,
        %get3A_171 = vector.shape_cast %get3A_170 : vector<1x16xf32> to vector<16xf32>
        %get3A_172 = arith.index_cast %add3A_168 : i32 to index
        %get3A_173 = tpu.vector_load %arg7[%get3A_172] {strides = array<i32>} : memref<12800xf32, #tpu.memory_space<vmem>>, vector<16xf32>,
        %get3A_174 = vector.shape_cast %get3A_173 : vector<16xf32> to vector<16xf32>
        %add3A_175 = arith.addf %get3A_171, %get3A_174 : vector<16xf32>
        %swap3A_176 = arith.index_cast %add3A_168 : i32 to index
        %swap3A_177 = tpu.vector_load %arg11[%swap3A_176] {strides = array<i32>} : memref<12800xf32, #tpu.memory_space<vmem>>, vector<16xf32>,
        %swap3A_178 = vector.shape_cast %swap3A_177 : vector<16xf32> to vector<16xf32>
        %swap3A_179 = vector.shape_cast %add3A_175 : vector<16xf32> to vector<16xf32>
        tpu.vector_store %arg11[%swap3A_176], %swap3A_179 {strides = array<i32>} : memref<12800xf32, #tpu.memory_space<vmem>>, vector<16xf32>,
        %mul3A_180 = arith.constant 64 : i32
        %mul3A_181 = arith.muli %scan3A_163, %mul3A_180 : i32
        %add3A_182 = arith.constant 16 : i32
        %add3A_183 = arith.addi %mul3A_181, %add3A_182 : i32
        %get3A_184 = arith.index_cast %scan3A_163 : i32 to index
        %get3A_185 = arith.constant 16 : index
        %get3A_186 = tpu.vector_load %arg9[%get3A_184, %get3A_185] {strides = array<i32>} : memref<208x64xf32, #tpu.memory_space<vmem>>, vector<1x16xf32>,
        %get3A_187 = vector.shape_cast %get3A_186 : vector<1x16xf32> to vector<16xf32>
        %get3A_188 = arith.index_cast %add3A_183 : i32 to index
        %get3A_189 = tpu.vector_load %arg7[%get3A_188] {strides = array<i32>} : memref<12800xf32, #tpu.memory_space<vmem>>, vector<16xf32>,
        %get3A_190 = vector.shape_cast %get3A_189 : vector<16xf32> to vector<16xf32>
        %add3A_191 = arith.addf %get3A_187, %get3A_190 : vector<16xf32>
        %swap3A_192 = arith.index_cast %add3A_183 : i32 to index
        %swap3A_193 = tpu.vector_load %arg11[%swap3A_192] {strides = array<i32>} : memref<12800xf32, #tpu.memory_space<vmem>>, vector<16xf32>,
        %swap3A_194 = vector.shape_cast %swap3A_193 : vector<16xf32> to vector<16xf32>
        %swap3A_195 = vector.shape_cast %add3A_191 : vector<16xf32> to vector<16xf32>
        tpu.vector_store %arg11[%swap3A_192], %swap3A_195 {strides = array<i32>} : memref<12800xf32, #tpu.memory_space<vmem>>, vector<16xf32>,
        %mul3A_196 = arith.constant 64 : i32
        %mul3A_197 = arith.muli %scan3A_163, %mul3A_196 : i32
        %add3A_198 = arith.constant 32 : i32
        %add3A_199 = arith.addi %mul3A_197, %add3A_198 : i32
        %get3A_200 = arith.index_cast %scan3A_163 : i32 to index
        %get3A_201 = arith.constant 32 : index
        %get3A_202 = tpu.vector_load %arg9[%get3A_200, %get3A_201] {strides = array<i32>} : memref<208x64xf32, #tpu.memory_space<vmem>>, vector<1x16xf32>,
        %get3A_203 = vector.shape_cast %get3A_202 : vector<1x16xf32> to vector<16xf32>
        %get3A_204 = arith.index_cast %add3A_199 : i32 to index
        %get3A_205 = tpu.vector_load %arg7[%get3A_204] {strides = array<i32>} : memref<12800xf32, #tpu.memory_space<vmem>>, vector<16xf32>,
        %get3A_206 = vector.shape_cast %get3A_205 : vector<16xf32> to vector<16xf32>
        %add3A_207 = arith.addf %get3A_203, %get3A_206 : vector<16xf32>
        %swap3A_208 = arith.index_cast %add3A_199 : i32 to index
        %swap3A_209 = tpu.vector_load %arg11[%swap3A_208] {strides = array<i32>} : memref<12800xf32, #tpu.memory_space<vmem>>, vector<16xf32>,
        %swap3A_210 = vector.shape_cast %swap3A_209 : vector<16xf32> to vector<16xf32>
        %swap3A_211 = vector.shape_cast %add3A_207 : vector<16xf32> to vector<16xf32>
        tpu.vector_store %arg11[%swap3A_208], %swap3A_211 {strides = array<i32>} : memref<12800xf32, #tpu.memory_space<vmem>>, vector<16xf32>,
        %mul3A_212 = arith.constant 64 : i32
        %mul3A_213 = arith.muli %scan3A_163, %mul3A_212 : i32
        %add3A_214 = arith.constant 48 : i32
        %add3A_215 = arith.addi %mul3A_213, %add3A_214 : i32
        %get3A_216 = arith.index_cast %scan3A_163 : i32 to index
        %get3A_217 = arith.constant 48 : index
        %get3A_218 = tpu.vector_load %arg9[%get3A_216, %get3A_217] {strides = array<i32>} : memref<208x64xf32, #tpu.memory_space<vmem>>, vector<1x16xf32>,
        %get3A_219 = vector.shape_cast %get3A_218 : vector<1x16xf32> to vector<16xf32>
        %get3A_220 = arith.index_cast %add3A_215 : i32 to index
        %get3A_221 = tpu.vector_load %arg7[%get3A_220] {strides = array<i32>} : memref<12800xf32, #tpu.memory_space<vmem>>, vector<16xf32>,
        %get3A_222 = vector.shape_cast %get3A_221 : vector<16xf32> to vector<16xf32>
        %add3A_223 = arith.addf %get3A_219, %get3A_222 : vector<16xf32>
        %swap3A_224 = arith.index_cast %add3A_215 : i32 to index
        %swap3A_225 = tpu.vector_load %arg11[%swap3A_224] {strides = array<i32>} : memref<12800xf32, #tpu.memory_space<vmem>>, vector<16xf32>,
        %swap3A_226 = vector.shape_cast %swap3A_225 : vector<16xf32> to vector<16xf32>
        %swap3A_227 = vector.shape_cast %add3A_223 : vector<16xf32> to vector<16xf32>
        tpu.vector_store %arg11[%swap3A_224], %swap3A_227 {strides = array<i32>} : memref<12800xf32, #tpu.memory_space<vmem>>, vector<16xf32>,
        %scan3A_228 = arith.constant 0 : i32
        scf.yield %scan3A_228 : i32
      }
      %scan3A_154 = arith.constant 200 : i32
      %mul3A_155 = arith.constant 200 : i32
      %mul3A_156 = arith.muli %add3A_122, %mul3A_155 : i32
      %add3A_157 = arith.addi %mul3A_2, %mul3A_156 : i32
      %mul3A_158 = arith.constant 64 : i32
      %mul3A_159 = arith.muli %add3A_157, %mul3A_158 : i32
      %multiple_of3A_160 = tpu.assume_multiple %mul3A_159, 8 : i32
      %dma_start3A_161 = tpu.memref_slice %arg5[%multiple_of3A_160] : memref<13107200xf32, #tpu.memory_space<hbm>> -> memref<12800xf32, #tpu.memory_space<hbm>>
      %dma_start3A_162 = tpu.memref_slice %arg5[%multiple_of3A_160] : memref<13107200xf32, #tpu.memory_space<hbm>> -> memref<12800xf32, #tpu.memory_space<hbm>>
      tpu.enqueue_dma source(%arg11 : memref<12800xf32, #tpu.memory_space<vmem>>) target(%dma_start3A_162 : memref<12800xf32, #tpu.memory_space<hbm>>) target_semaphore(%arg15 : memref<!tpu.dma_semaphore, #tpu.memory_space<semaphore_mem>>)
    }
    %scan3A_16 = arith.constant 15 : i32
    %add3A_17 = arith.constant 5800 : i32
    %add3A_18 = arith.addi %mul3A_2, %add3A_17 : i32
    %mul3A_19 = arith.constant 64 : i32
    %mul3A_20 = arith.muli %add3A_18, %mul3A_19 : i32
    %multiple_of3A_21 = tpu.assume_multiple %mul3A_20, 8 : i32
    %dma_wait3A = tpu.memref_slice %arg5[%multiple_of3A_21] : memref<13107200xf32, #tpu.memory_space<hbm>> -> memref<12800xf32, #tpu.memory_space<hbm>>
    %dma_wait3A_22 = tpu.memref_slice %arg5[%multiple_of3A_21] : memref<13107200xf32, #tpu.memory_space<hbm>> -> memref<12800xf32, #tpu.memory_space<hbm>>
    tpu.wait_dma2 semaphore(%arg15 : memref<!tpu.dma_semaphore, #tpu.memory_space<semaphore_mem>>) src(%arg11 : memref<12800xf32, #tpu.memory_space<vmem>>) dst(%dma_wait3A_22 : memref<12800xf32, #tpu.memory_space<hbm>>)
    %multiple_of3A_23 = arith.constant 6200 : i32
    %multiple_of3A_24 = tpu.assume_multiple %multiple_of3A_23, 8 : i32
    %scan3A_25 = arith.constant 0 : i32
    %scan3A_26 = arith.constant 13 : i32
    %scan3A_27 = arith.addi %scan3A_25, %scan3A_26 : i32
    %scan3A_28 = arith.constant 1 : i32
    scf.for %scan3A_83 = %scan3A_25 to %scan3A_27 step %scan3A_28  : i32 {
      %mul3A_84 = arith.constant 1 : i32
      %mul3A_85 = arith.muli %scan3A_83, %mul3A_84 : i32
      %add3A_86 = arith.constant 0 : i32
      %add3A_87 = arith.addi %add3A_86, %mul3A_85 : i32
      %mul3A_88 = arith.constant 16 : i32
      %mul3A_89 = arith.muli %mul3A_88, %add3A_87 : i32
      %add3A_90 = arith.addi %multiple_of3A_24, %mul3A_89 : i32
      %get3A = arith.index_cast %add3A_90 : i32 to index
      %get3A_91 = tpu.vector_load %arg6[%get3A] {strides = array<i32>} : memref<6416xi32, #tpu.memory_space<vmem>>, vector<16xi32>,
      %get3A_92 = vector.shape_cast %get3A_91 : vector<16xi32> to vector<16xi32>
      %mul3A_93 = arith.constant 16 : i32
      %mul3A_94 = arith.muli %mul3A_93, %add3A_87 : i32
      %multiple_of3A_95 = tpu.assume_multiple %mul3A_94, 8 : i32
      %dma_start3A_96 = arith.constant 0 : i32
      %dma_start3A_97 = tpu.memref_slice %arg9[%multiple_of3A_95, %dma_start3A_96] : memref<208x64xf32, #tpu.memory_space<vmem>> -> memref<16x64xf32, #tpu.memory_space<vmem>>
      %dma_start3A_98 = arith.constant 0 : i32
      %dma_start3A_99 = arith.constant 0 : i32
      %dma_start3A_100 = tpu.memref_slice %arg3[%dma_start3A_98, %dma_start3A_99] : memref<1000000x64xf32, #tpu.memory_space<hbm>> -> memref<1000000x64xf32, #tpu.memory_space<hbm>>
      tpu.enqueue_indirect_dma source(%dma_start3A_100 : memref<1000000x64xf32, #tpu.memory_space<hbm>>) target(%dma_start3A_97 : memref<16x64xf32, #tpu.memory_space<vmem>>) offsets(%get3A_92 : vector<16xi32>) semaphore(%arg13 : memref<!tpu.dma_semaphore, #tpu.memory_space<semaphore_mem>>)
    }
    %scan3A_29 = arith.constant 13 : i32
    %dma_wait3A_30 = arith.constant 0 : i32
    %dma_wait3A_31 = arith.constant 0 : i32
    %dma_wait3A_32 = tpu.memref_slice %arg3[%dma_wait3A_30, %dma_wait3A_31] : memref<1000000x64xf32, #tpu.memory_space<hbm>> -> memref<208x64xf32, #tpu.memory_space<hbm>>
    %dma_wait3A_33 = arith.constant 0 : i32
    %dma_wait3A_34 = arith.constant 0 : i32
    %dma_wait3A_35 = tpu.memref_slice %arg3[%dma_wait3A_33, %dma_wait3A_34] : memref<1000000x64xf32, #tpu.memory_space<hbm>> -> memref<208x64xf32, #tpu.memory_space<hbm>>
    tpu.wait_dma2 semaphore(%arg12 : memref<!tpu.dma_semaphore, #tpu.memory_space<semaphore_mem>>) src(%dma_wait3A_35 : memref<208x64xf32, #tpu.memory_space<hbm>>) dst(%arg8 : memref<208x64xf32, #tpu.memory_space<vmem>>)
    %scan3A_36 = arith.constant 0 : i32
    %scan3A_37 = arith.constant 0 : i32
    %scan3A_38 = arith.constant 200 : i32
    %scan3A_39 = arith.addi %scan3A_37, %scan3A_38 : i32
    %scan3A_40 = arith.constant 1 : i32
    %scan3A_41 = scf.for %scan3A_83 = %scan3A_37 to %scan3A_39 step %scan3A_40 iter_args(%scan3A_84 = %scan3A_36) -> (i32)  : i32 {
      %mul3A_85 = arith.constant 64 : i32
      %mul3A_86 = arith.muli %scan3A_83, %mul3A_85 : i32
      %add3A_87 = arith.constant 0 : i32
      %add3A_88 = arith.addi %mul3A_86, %add3A_87 : i32
      %get3A = arith.index_cast %scan3A_83 : i32 to index
      %get3A_89 = arith.constant 0 : index
      %get3A_90 = tpu.vector_load %arg8[%get3A, %get3A_89] {strides = array<i32>} : memref<208x64xf32, #tpu.memory_space<vmem>>, vector<1x16xf32>,
      %get3A_91 = vector.shape_cast %get3A_90 : vector<1x16xf32> to vector<16xf32>
      %get3A_92 = arith.index_cast %add3A_88 : i32 to index
      %get3A_93 = tpu.vector_load %arg7[%get3A_92] {strides = array<i32>} : memref<12800xf32, #tpu.memory_space<vmem>>, vector<16xf32>,
      %get3A_94 = vector.shape_cast %get3A_93 : vector<16xf32> to vector<16xf32>
      %add3A_95 = arith.addf %get3A_91, %get3A_94 : vector<16xf32>
      %swap3A_96 = arith.index_cast %add3A_88 : i32 to index
      %swap3A_97 = tpu.vector_load %arg10[%swap3A_96] {strides = array<i32>} : memref<12800xf32, #tpu.memory_space<vmem>>, vector<16xf32>,
      %swap3A_98 = vector.shape_cast %swap3A_97 : vector<16xf32> to vector<16xf32>
      %swap3A_99 = vector.shape_cast %add3A_95 : vector<16xf32> to vector<16xf32>
      tpu.vector_store %arg10[%swap3A_96], %swap3A_99 {strides = array<i32>} : memref<12800xf32, #tpu.memory_space<vmem>>, vector<16xf32>,
      %mul3A_100 = arith.constant 64 : i32
      %mul3A_101 = arith.muli %scan3A_83, %mul3A_100 : i32
      %add3A_102 = arith.constant 16 : i32
      %add3A_103 = arith.addi %mul3A_101, %add3A_102 : i32
      %get3A_104 = arith.index_cast %scan3A_83 : i32 to index
      %get3A_105 = arith.constant 16 : index
      %get3A_106 = tpu.vector_load %arg8[%get3A_104, %get3A_105] {strides = array<i32>} : memref<208x64xf32, #tpu.memory_space<vmem>>, vector<1x16xf32>,
      %get3A_107 = vector.shape_cast %get3A_106 : vector<1x16xf32> to vector<16xf32>
      %get3A_108 = arith.index_cast %add3A_103 : i32 to index
      %get3A_109 = tpu.vector_load %arg7[%get3A_108] {strides = array<i32>} : memref<12800xf32, #tpu.memory_space<vmem>>, vector<16xf32>,
      %get3A_110 = vector.shape_cast %get3A_109 : vector<16xf32> to vector<16xf32>
      %add3A_111 = arith.addf %get3A_107, %get3A_110 : vector<16xf32>
      %swap3A_112 = arith.index_cast %add3A_103 : i32 to index
      %swap3A_113 = tpu.vector_load %arg10[%swap3A_112] {strides = array<i32>} : memref<12800xf32, #tpu.memory_space<vmem>>, vector<16xf32>,
      %swap3A_114 = vector.shape_cast %swap3A_113 : vector<16xf32> to vector<16xf32>
      %swap3A_115 = vector.shape_cast %add3A_111 : vector<16xf32> to vector<16xf32>
      tpu.vector_store %arg10[%swap3A_112], %swap3A_115 {strides = array<i32>} : memref<12800xf32, #tpu.memory_space<vmem>>, vector<16xf32>,
      %mul3A_116 = arith.constant 64 : i32
      %mul3A_117 = arith.muli %scan3A_83, %mul3A_116 : i32
      %add3A_118 = arith.constant 32 : i32
      %add3A_119 = arith.addi %mul3A_117, %add3A_118 : i32
      %get3A_120 = arith.index_cast %scan3A_83 : i32 to index
      %get3A_121 = arith.constant 32 : index
      %get3A_122 = tpu.vector_load %arg8[%get3A_120, %get3A_121] {strides = array<i32>} : memref<208x64xf32, #tpu.memory_space<vmem>>, vector<1x16xf32>,
      %get3A_123 = vector.shape_cast %get3A_122 : vector<1x16xf32> to vector<16xf32>
      %get3A_124 = arith.index_cast %add3A_119 : i32 to index
      %get3A_125 = tpu.vector_load %arg7[%get3A_124] {strides = array<i32>} : memref<12800xf32, #tpu.memory_space<vmem>>, vector<16xf32>,
      %get3A_126 = vector.shape_cast %get3A_125 : vector<16xf32> to vector<16xf32>
      %add3A_127 = arith.addf %get3A_123, %get3A_126 : vector<16xf32>
      %swap3A_128 = arith.index_cast %add3A_119 : i32 to index
      %swap3A_129 = tpu.vector_load %arg10[%swap3A_128] {strides = array<i32>} : memref<12800xf32, #tpu.memory_space<vmem>>, vector<16xf32>,
      %swap3A_130 = vector.shape_cast %swap3A_129 : vector<16xf32> to vector<16xf32>
      %swap3A_131 = vector.shape_cast %add3A_127 : vector<16xf32> to vector<16xf32>
      tpu.vector_store %arg10[%swap3A_128], %swap3A_131 {strides = array<i32>} : memref<12800xf32, #tpu.memory_space<vmem>>, vector<16xf32>,
      %mul3A_132 = arith.constant 64 : i32
      %mul3A_133 = arith.muli %scan3A_83, %mul3A_132 : i32
      %add3A_134 = arith.constant 48 : i32
      %add3A_135 = arith.addi %mul3A_133, %add3A_134 : i32
      %get3A_136 = arith.index_cast %scan3A_83 : i32 to index
      %get3A_137 = arith.constant 48 : index
      %get3A_138 = tpu.vector_load %arg8[%get3A_136, %get3A_137] {strides = array<i32>} : memref<208x64xf32, #tpu.memory_space<vmem>>, vector<1x16xf32>,
      %get3A_139 = vector.shape_cast %get3A_138 : vector<1x16xf32> to vector<16xf32>
      %get3A_140 = arith.index_cast %add3A_135 : i32 to index
      %get3A_141 = tpu.vector_load %arg7[%get3A_140] {strides = array<i32>} : memref<12800xf32, #tpu.memory_space<vmem>>, vector<16xf32>,
      %get3A_142 = vector.shape_cast %get3A_141 : vector<16xf32> to vector<16xf32>
      %add3A_143 = arith.addf %get3A_139, %get3A_142 : vector<16xf32>
      %swap3A_144 = arith.index_cast %add3A_135 : i32 to index
      %swap3A_145 = tpu.vector_load %arg10[%swap3A_144] {strides = array<i32>} : memref<12800xf32, #tpu.memory_space<vmem>>, vector<16xf32>,
      %swap3A_146 = vector.shape_cast %swap3A_145 : vector<16xf32> to vector<16xf32>
      %swap3A_147 = vector.shape_cast %add3A_143 : vector<16xf32> to vector<16xf32>
      tpu.vector_store %arg10[%swap3A_144], %swap3A_147 {strides = array<i32>} : memref<12800xf32, #tpu.memory_space<vmem>>, vector<16xf32>,
      %scan3A_148 = arith.constant 0 : i32
      scf.yield %scan3A_148 : i32
    }
    %scan3A_42 = arith.constant 200 : i32
    %add3A_43 = arith.constant 6000 : i32
    %add3A_44 = arith.addi %mul3A_2, %add3A_43 : i32
    %mul3A_45 = arith.constant 64 : i32
    %mul3A_46 = arith.muli %add3A_44, %mul3A_45 : i32
    %multiple_of3A_47 = tpu.assume_multiple %mul3A_46, 8 : i32
    %dma_start3A = tpu.memref_slice %arg5[%multiple_of3A_47] : memref<13107200xf32, #tpu.memory_space<hbm>> -> memref<12800xf32, #tpu.memory_space<hbm>>
    %dma_start3A_48 = tpu.memref_slice %arg5[%multiple_of3A_47] : memref<13107200xf32, #tpu.memory_space<hbm>> -> memref<12800xf32, #tpu.memory_space<hbm>>
    tpu.enqueue_dma source(%arg10 : memref<12800xf32, #tpu.memory_space<vmem>>) target(%dma_start3A_48 : memref<12800xf32, #tpu.memory_space<hbm>>) target_semaphore(%arg14 : memref<!tpu.dma_semaphore, #tpu.memory_space<semaphore_mem>>)
    %dma_wait3A_49 = arith.constant 0 : i32
    %dma_wait3A_50 = arith.constant 0 : i32
    %dma_wait3A_51 = tpu.memref_slice %arg3[%dma_wait3A_49, %dma_wait3A_50] : memref<1000000x64xf32, #tpu.memory_space<hbm>> -> memref<208x64xf32, #tpu.memory_space<hbm>>
    %dma_wait3A_52 = arith.constant 0 : i32
    %dma_wait3A_53 = arith.constant 0 : i32
    %dma_wait3A_54 = tpu.memref_slice %arg3[%dma_wait3A_52, %dma_wait3A_53] : memref<1000000x64xf32, #tpu.memory_space<hbm>> -> memref<208x64xf32, #tpu.memory_space<hbm>>
    tpu.wait_dma2 semaphore(%arg13 : memref<!tpu.dma_semaphore, #tpu.memory_space<semaphore_mem>>) src(%dma_wait3A_54 : memref<208x64xf32, #tpu.memory_space<hbm>>) dst(%arg9 : memref<208x64xf32, #tpu.memory_space<vmem>>)
    %scan3A_55 = arith.constant 0 : i32
    %scan3A_56 = arith.constant 0 : i32
    %scan3A_57 = arith.constant 200 : i32
    %scan3A_58 = arith.addi %scan3A_56, %scan3A_57 : i32
    %scan3A_59 = arith.constant 1 : i32
    %scan3A_60 = scf.for %scan3A_83 = %scan3A_56 to %scan3A_58 step %scan3A_59 iter_args(%scan3A_84 = %scan3A_55) -> (i32)  : i32 {
      %mul3A_85 = arith.constant 64 : i32
      %mul3A_86 = arith.muli %scan3A_83, %mul3A_85 : i32
      %add3A_87 = arith.constant 0 : i32
      %add3A_88 = arith.addi %mul3A_86, %add3A_87 : i32
      %get3A = arith.index_cast %scan3A_83 : i32 to index
      %get3A_89 = arith.constant 0 : index
      %get3A_90 = tpu.vector_load %arg9[%get3A, %get3A_89] {strides = array<i32>} : memref<208x64xf32, #tpu.memory_space<vmem>>, vector<1x16xf32>,
      %get3A_91 = vector.shape_cast %get3A_90 : vector<1x16xf32> to vector<16xf32>
      %get3A_92 = arith.index_cast %add3A_88 : i32 to index
      %get3A_93 = tpu.vector_load %arg7[%get3A_92] {strides = array<i32>} : memref<12800xf32, #tpu.memory_space<vmem>>, vector<16xf32>,
      %get3A_94 = vector.shape_cast %get3A_93 : vector<16xf32> to vector<16xf32>
      %add3A_95 = arith.addf %get3A_91, %get3A_94 : vector<16xf32>
      %swap3A_96 = arith.index_cast %add3A_88 : i32 to index
      %swap3A_97 = tpu.vector_load %arg11[%swap3A_96] {strides = array<i32>} : memref<12800xf32, #tpu.memory_space<vmem>>, vector<16xf32>,
      %swap3A_98 = vector.shape_cast %swap3A_97 : vector<16xf32> to vector<16xf32>
      %swap3A_99 = vector.shape_cast %add3A_95 : vector<16xf32> to vector<16xf32>
      tpu.vector_store %arg11[%swap3A_96], %swap3A_99 {strides = array<i32>} : memref<12800xf32, #tpu.memory_space<vmem>>, vector<16xf32>,
      %mul3A_100 = arith.constant 64 : i32
      %mul3A_101 = arith.muli %scan3A_83, %mul3A_100 : i32
      %add3A_102 = arith.constant 16 : i32
      %add3A_103 = arith.addi %mul3A_101, %add3A_102 : i32
      %get3A_104 = arith.index_cast %scan3A_83 : i32 to index
      %get3A_105 = arith.constant 16 : index
      %get3A_106 = tpu.vector_load %arg9[%get3A_104, %get3A_105] {strides = array<i32>} : memref<208x64xf32, #tpu.memory_space<vmem>>, vector<1x16xf32>,
      %get3A_107 = vector.shape_cast %get3A_106 : vector<1x16xf32> to vector<16xf32>
      %get3A_108 = arith.index_cast %add3A_103 : i32 to index
      %get3A_109 = tpu.vector_load %arg7[%get3A_108] {strides = array<i32>} : memref<12800xf32, #tpu.memory_space<vmem>>, vector<16xf32>,
      %get3A_110 = vector.shape_cast %get3A_109 : vector<16xf32> to vector<16xf32>
      %add3A_111 = arith.addf %get3A_107, %get3A_110 : vector<16xf32>
      %swap3A_112 = arith.index_cast %add3A_103 : i32 to index
      %swap3A_113 = tpu.vector_load %arg11[%swap3A_112] {strides = array<i32>} : memref<12800xf32, #tpu.memory_space<vmem>>, vector<16xf32>,
      %swap3A_114 = vector.shape_cast %swap3A_113 : vector<16xf32> to vector<16xf32>
      %swap3A_115 = vector.shape_cast %add3A_111 : vector<16xf32> to vector<16xf32>
      tpu.vector_store %arg11[%swap3A_112], %swap3A_115 {strides = array<i32>} : memref<12800xf32, #tpu.memory_space<vmem>>, vector<16xf32>,
      %mul3A_116 = arith.constant 64 : i32
      %mul3A_117 = arith.muli %scan3A_83, %mul3A_116 : i32
      %add3A_118 = arith.constant 32 : i32
      %add3A_119 = arith.addi %mul3A_117, %add3A_118 : i32
      %get3A_120 = arith.index_cast %scan3A_83 : i32 to index
      %get3A_121 = arith.constant 32 : index
      %get3A_122 = tpu.vector_load %arg9[%get3A_120, %get3A_121] {strides = array<i32>} : memref<208x64xf32, #tpu.memory_space<vmem>>, vector<1x16xf32>,
      %get3A_123 = vector.shape_cast %get3A_122 : vector<1x16xf32> to vector<16xf32>
      %get3A_124 = arith.index_cast %add3A_119 : i32 to index
      %get3A_125 = tpu.vector_load %arg7[%get3A_124] {strides = array<i32>} : memref<12800xf32, #tpu.memory_space<vmem>>, vector<16xf32>,
      %get3A_126 = vector.shape_cast %get3A_125 : vector<16xf32> to vector<16xf32>
      %add3A_127 = arith.addf %get3A_123, %get3A_126 : vector<16xf32>
      %swap3A_128 = arith.index_cast %add3A_119 : i32 to index
      %swap3A_129 = tpu.vector_load %arg11[%swap3A_128] {strides = array<i32>} : memref<12800xf32, #tpu.memory_space<vmem>>, vector<16xf32>,
      %swap3A_130 = vector.shape_cast %swap3A_129 : vector<16xf32> to vector<16xf32>
      %swap3A_131 = vector.shape_cast %add3A_127 : vector<16xf32> to vector<16xf32>
      tpu.vector_store %arg11[%swap3A_128], %swap3A_131 {strides = array<i32>} : memref<12800xf32, #tpu.memory_space<vmem>>, vector<16xf32>,
      %mul3A_132 = arith.constant 64 : i32
      %mul3A_133 = arith.muli %scan3A_83, %mul3A_132 : i32
      %add3A_134 = arith.constant 48 : i32
      %add3A_135 = arith.addi %mul3A_133, %add3A_134 : i32
      %get3A_136 = arith.index_cast %scan3A_83 : i32 to index
      %get3A_137 = arith.constant 48 : index
      %get3A_138 = tpu.vector_load %arg9[%get3A_136, %get3A_137] {strides = array<i32>} : memref<208x64xf32, #tpu.memory_space<vmem>>, vector<1x16xf32>,
      %get3A_139 = vector.shape_cast %get3A_138 : vector<1x16xf32> to vector<16xf32>
      %get3A_140 = arith.index_cast %add3A_135 : i32 to index
      %get3A_141 = tpu.vector_load %arg7[%get3A_140] {strides = array<i32>} : memref<12800xf32, #tpu.memory_space<vmem>>, vector<16xf32>,
      %get3A_142 = vector.shape_cast %get3A_141 : vector<16xf32> to vector<16xf32>
      %add3A_143 = arith.addf %get3A_139, %get3A_142 : vector<16xf32>
      %swap3A_144 = arith.index_cast %add3A_135 : i32 to index
      %swap3A_145 = tpu.vector_load %arg11[%swap3A_144] {strides = array<i32>} : memref<12800xf32, #tpu.memory_space<vmem>>, vector<16xf32>,
      %swap3A_146 = vector.shape_cast %swap3A_145 : vector<16xf32> to vector<16xf32>
      %swap3A_147 = vector.shape_cast %add3A_143 : vector<16xf32> to vector<16xf32>
      tpu.vector_store %arg11[%swap3A_144], %swap3A_147 {strides = array<i32>} : memref<12800xf32, #tpu.memory_space<vmem>>, vector<16xf32>,
      %scan3A_148 = arith.constant 0 : i32
      scf.yield %scan3A_148 : i32
    }
    %scan3A_61 = arith.constant 200 : i32
    %add3A_62 = arith.constant 6200 : i32
    %add3A_63 = arith.addi %mul3A_2, %add3A_62 : i32
    %mul3A_64 = arith.constant 64 : i32
    %mul3A_65 = arith.muli %add3A_63, %mul3A_64 : i32
    %multiple_of3A_66 = tpu.assume_multiple %mul3A_65, 8 : i32
    %dma_start3A_67 = tpu.memref_slice %arg5[%multiple_of3A_66] : memref<13107200xf32, #tpu.memory_space<hbm>> -> memref<12800xf32, #tpu.memory_space<hbm>>
    %dma_start3A_68 = tpu.memref_slice %arg5[%multiple_of3A_66] : memref<13107200xf32, #tpu.memory_space<hbm>> -> memref<12800xf32, #tpu.memory_space<hbm>>
    tpu.enqueue_dma source(%arg11 : memref<12800xf32, #tpu.memory_space<vmem>>) target(%dma_start3A_68 : memref<12800xf32, #tpu.memory_space<hbm>>) target_semaphore(%arg15 : memref<!tpu.dma_semaphore, #tpu.memory_space<semaphore_mem>>)
    %add3A_69 = arith.constant 6000 : i32
    %add3A_70 = arith.addi %mul3A_2, %add3A_69 : i32
    %mul3A_71 = arith.constant 64 : i32
    %mul3A_72 = arith.muli %add3A_70, %mul3A_71 : i32
    %multiple_of3A_73 = tpu.assume_multiple %mul3A_72, 8 : i32
    %dma_wait3A_74 = tpu.memref_slice %arg5[%multiple_of3A_73] : memref<13107200xf32, #tpu.memory_space<hbm>> -> memref<12800xf32, #tpu.memory_space<hbm>>
    %dma_wait3A_75 = tpu.memref_slice %arg5[%multiple_of3A_73] : memref<13107200xf32, #tpu.memory_space<hbm>> -> memref<12800xf32, #tpu.memory_space<hbm>>
    tpu.wait_dma2 semaphore(%arg14 : memref<!tpu.dma_semaphore, #tpu.memory_space<semaphore_mem>>) src(%arg10 : memref<12800xf32, #tpu.memory_space<vmem>>) dst(%dma_wait3A_75 : memref<12800xf32, #tpu.memory_space<hbm>>)
    %add3A_76 = arith.constant 6200 : i32
    %add3A_77 = arith.addi %mul3A_2, %add3A_76 : i32
    %mul3A_78 = arith.constant 64 : i32
    %mul3A_79 = arith.muli %add3A_77, %mul3A_78 : i32
    %multiple_of3A_80 = tpu.assume_multiple %mul3A_79, 8 : i32
    %dma_wait3A_81 = tpu.memref_slice %arg5[%multiple_of3A_80] : memref<13107200xf32, #tpu.memory_space<hbm>> -> memref<12800xf32, #tpu.memory_space<hbm>>
    %dma_wait3A_82 = tpu.memref_slice %arg5[%multiple_of3A_80] : memref<13107200xf32, #tpu.memory_space<hbm>> -> memref<12800xf32, #tpu.memory_space<hbm>>
    tpu.wait_dma2 semaphore(%arg15 : memref<!tpu.dma_semaphore, #tpu.memory_space<semaphore_mem>>) src(%arg11 : memref<12800xf32, #tpu.memory_space<vmem>>) dst(%dma_wait3A_82 : memref<12800xf32, #tpu.memory_space<hbm>>)
    return
  }
}

</mosaic_0001>

<sc_bundles>
// kernel: kernel.3.cloned.1.call-start
scs
__scs_entry_jumppad:
0x0: {  	(pc) =	sbr.rel $0x88, $3  }
0x1: {  	(tag) =	ssettag $0x0;
	lr =	simm.s32 $0x1  }
0x2: {  	[smem:$0x3F9E] =	sst lr;
	_ =	strace $0xD0000000  }
0x3: {  	_ = 	snop  }
0x4: {  	_ = 	snop  }
0x5: {  	_ = 	snop  }
0x6: {  	_ = 	snop  }
0x7: {  	_ = 	snop  }
__scs_overlays_trampoline_lowered:
0x8: {  	[smem:$0x3FAD] =	sst s0  }
0x9: {  	[smem:$0x3FAE] =	sst s1  }
0xa: {  	[smem:$0x3FAF] =	sst s2  }
0xb: {  	[smem:$0x3FB0] =	sst s3  }
0xc: {  	[smem:$0x3FB1] =	sst s4  }
0xd: {  	[smem:$0x3FB2] =	sst s5  }
0xe: {  	[smem:$0x3FB3] =	sst s6  }
0xf: {  	[smem:$0x3FB4] =	sst s7  }
0x10: {  	[smem:$0x3FB5] =	sst s8  }
0x11: {  	[smem:$0x3FB6] =	sst s9;
	s0 =	simm.s32 @!p0 $0x0  }
0x12: {  	s1 =	sld [smem:$0x3F9C];
	s0 =	simm.s32 @p0 $0x1  }
0x13: {  	[smem:$0x3FB7] =	sst s0;
	s0 =	simm.s32 @!p1 $0x0  }
0x14: {  	s2 =	sld [smem:$0x3F9B];
	s0 =	simm.s32 @p1 $0x1  }
0x15: {  	[smem:$0x3FB8] =	sst s0;
	s0 =	simm.s32 @!p2 $0x0  }
0x16: {  	s3 =	sld [smem:$0x3FDB];
	s0 =	simm.s32 @p2 $0x1  }
0x17: {  	s4 =	simm.s32 $0x1BF5;
	[smem:$0x3FBA] =	sst s0  }
0x18: {  	s0 =	sld [smem:$0x3F9D];
	_ =	swait.ge [sflag:s4], $0x0  }
0x19: {  	s7 =	sld [smem:$0x3F9E]  }
0x1a: {  	s8 =	sadd.s32 $0xFFFFE003, lr  }
0x1b: {  	s9 =	sadd.s32 $0xFFFFFEF7, lr;
	s5 =	simm.s32 $0xFFFFFFFF;
	p2 =	slt.u32 s8, $0xFFFFF086  }
0x1c: {  	p1 =	slt.u32 s9, $0xF7A;
	s5 =	simm.s32 @!p2 $0x0  }
0x1d: {  	s5 =	simm.s32 @p1 $0x1;
	p0 =	seq.s32 s7, s2  }
0x1e: {  	s7 =	smul.u32 @!p0 $0xF7A, s2;
	p2 =	seq.s32 @!p0 s5, $0x0  }
0x1f: {  	s9 =	smul.u32 $0xF7A, s1;
	s8 =	simm.s32 @!p0 $0x1BF5;
	p2 =	por !p2, p0  }
0x20: {  	[sflag:s8] =	ssyncset.s32 @!p0 $0xFFFFF086;
	s6 =	sadd.s32 @!p0 s3, s7;
	s7 =	simm.s32 @!p0 $0x108  }
0x21: {  	s3 =	sadd.s32 s3, s9;
	s6 =	sadd.s32 @!p0 $0x88, s6;
	s7 =	simm.s32 @p2 $0x1082  }
0x22: {  	[simem:s7], [sflag:s8] =	dma.local @!p0 [hbm:s6], $0xF7A  }
0x23: {  	s9 =	sor.u32 $0xD0000000, s2;
	s6 =	simm.s32 $0x108;
	_ =	swait.ge @!p0 [sflag:s8], $0x0  }
0x24: {  	s3 =	sadd.s32 $0x88, s3;
	s6 =	simm.s32 @!p1 $0x1082;
	[sflag:s4] =	ssyncset.s32 $0xFFFFF086  }
0x25: {  	[simem:s6], [sflag:s4] =	dma.local [hbm:s3], $0xF7A  }
0x26: {  	[smem:$0x3F9E] =	sst s1;
	(tag) =	ssettag s2;
	_ =	strace s9  }
0x27: {  	s1 =	sld [smem:$0x3FAE]  }
0x28: {  	s2 =	sld [smem:$0x3FAF]  }
0x29: {  	s4 =	sld [smem:$0x3FB1]  }
0x2a: {  	p0 =	seq.s32 s5, $0x0;
	s5 =	sld [smem:$0x3FB2]  }
0x2b: {  	s6 =	sld [smem:$0x3FB3]  }
0x2c: {  	s7 =	sld [smem:$0x3FB4]  }
0x2d: {  	s3 =	simm.s32 $0x108;
	s8 =	sld [smem:$0x3FB5]  }
0x2e: {  	s3 =	simm.s32 @!p0 $0x1082;
	s9 =	sld [smem:$0x3FB6]  }
0x2f: {  	lr =	sadd.s32 s0, s3;
	s0 =	sld [smem:$0x3FAD]  }
0x30: {  	s3 =	sld [smem:$0x3FB0]  }
0x31: {  	[smem:$0x3FB9] =	sst s10  }
0x32: {  	s10 =	sld [smem:$0x3FB7];
	_ =	sdelay $0x3  }
0x33: {  	p0 =	seq.s32 s10, $0x1;
	s10 =	sld [smem:$0x3FB9];
	_ =	sdelay $0x3  }
0x34: {  	[smem:$0x3FB9] =	sst s10  }
0x35: {  	s10 =	sld [smem:$0x3FB8];
	_ =	sdelay $0x3  }
0x36: {  	p1 =	seq.s32 s10, $0x1;
	s10 =	sld [smem:$0x3FB9];
	_ =	sdelay $0x3  }
0x37: {  	[smem:$0x3FB9] =	sst s10  }
0x38: {  	s10 =	sld [smem:$0x3FBA]  }
0x39: {  	_ = 	snop;
	(pc) =	sbr.ind lr, $3  }
0x3a: {  	_ = 	snop  }
0x3b: {  	_ = 	snop  }
0x3c: {  	p2 =	seq.s32 s10, $0x1;
	s10 =	sld [smem:$0x3FB9]  }
0x3d: {  	_ =	shalt  }
0x3e: {  	_ =	shalt  }
0x3f: {  	_ =	shalt  }
0x40: {  	_ =	shalt  }
0x41: {  	_ =	shalt  }
0x42: {  	_ =	shalt  }
0x43: {  	_ =	shalt  }
0x44: {  	_ =	shalt  }
0x45: {  	_ =	shalt  }
0x46: {  	_ =	shalt  }
0x47: {  	_ =	shalt  }
0x48: {  	_ =	shalt  }
0x49: {  	_ =	shalt  }
0x4a: {  	_ =	shalt  }
0x4b: {  	_ =	shalt  }
0x4c: {  	_ =	shalt  }
0x4d: {  	_ =	shalt  }
0x4e: {  	_ =	shalt  }
0x4f: {  	_ =	shalt  }
0x50: {  	_ =	shalt  }
0x51: {  	_ =	shalt  }
0x52: {  	_ =	shalt  }
0x53: {  	_ =	shalt  }
0x54: {  	_ =	shalt  }
0x55: {  	_ =	shalt  }
0x56: {  	_ =	shalt  }
0x57: {  	_ =	shalt  }
0x58: {  	_ =	shalt  }
0x59: {  	_ =	shalt  }
0x5a: {  	_ =	shalt  }
0x5b: {  	_ =	shalt  }
0x5c: {  	_ =	shalt  }
0x5d: {  	_ =	shalt  }
0x5e: {  	_ =	shalt  }
0x5f: {  	_ =	shalt  }
0x60: {  	_ =	shalt  }
0x61: {  	_ =	shalt  }
0x62: {  	_ =	shalt  }
0x63: {  	_ =	shalt  }
0x64: {  	_ =	shalt  }
0x65: {  	_ =	shalt  }
0x66: {  	_ =	shalt  }
0x67: {  	_ =	shalt  }
0x68: {  	_ =	shalt  }
0x69: {  	_ =	shalt  }
0x6a: {  	_ =	shalt  }
0x6b: {  	_ =	shalt  }
0x6c: {  	_ =	shalt  }
0x6d: {  	_ =	shalt  }
0x6e: {  	_ =	shalt  }
0x6f: {  	_ =	shalt  }
0x70: {  	_ =	shalt  }
0x71: {  	_ =	shalt  }
0x72: {  	_ =	shalt  }
0x73: {  	_ =	shalt  }
0x74: {  	_ =	shalt  }
0x75: {  	_ =	shalt  }
0x76: {  	_ =	shalt  }
0x77: {  	_ =	shalt  }
0x78: {  	_ =	shalt  }
0x79: {  	_ =	shalt  }
0x7a: {  	_ =	shalt  }
0x7b: {  	_ =	shalt  }
0x7c: {  	_ =	shalt  }
0x7d: {  	_ =	shalt  }
0x7e: {  	_ =	shalt  }
0x7f: {  	_ =	shalt  }
0x80: {  	_ =	shalt  }
0x81: {  	_ =	shalt  }
0x82: {  	_ =	shalt  }
0x83: {  	_ =	shalt  }
0x84: {  	_ =	shalt  }
0x85: {  	_ =	shalt  }
0x86: {  	_ =	shalt  }
0x87: {  	_ =	shalt  }
.Lfunc_end0:
.L_simem_size_0:
called_computation.1_lowered:
.L_overlay_start_0:
0x88: {  	s2 =	sld [smem:$0x3FD9]  }
0x89: {  	s3 =	sld [smem:$0x3FFE];
	_ =	sdelay $0x1  }
0x8a: {  	s1 =	srdreg.scid  }
0x8b: {  	s0 =	sand.u32 $0x1, s1  }
0x8c: {  	s17 =	sshll.u32 s0, $0xA;
	s2 =	sadd.s32 s3, s2  }
0x8d: {  	s2 =	sadd.s32 s2, s17  }
0x8e: {  	[smem:$0x3FC5] =	sst s2  }
0x8f: {  	_ = 	snop  }
0x90: {  	s2 =	sld [smem:$0x3FD0];
	(tm) =	ssettm $0x1  }
0x91: {  	s18 =	sld [smem:$0x3FFB];
	_ =	sdelay $0x3  }
0x92: {  	_ =	strace s18  }
0x93: {  	s3 =	sld [smem:$0x3FFC];
	_ =	sdelay $0x3  }
0x94: {  	_ =	strace s3  }
0x95: {  	s3 =	sld [smem:$0x3FFD];
	_ =	sdelay $0x3  }
0x96: {  	_ =	strace s3  }
0x97: {  	_ =	strace $0x8FFFFFFF  }
0x98: {  	s19 =	sld [smem:$0x3FDB];
	_ =	sdelay $0x1  }
0x99: {  	s4 =	simm.s32 $_scs_section_size  }
0x9a: {  	s5 =	simm.s32 $_size__tile_overlayer_lowered;
	s6 =	simm.s32 $_tile_overlayer_lowered  }
0x9b: {  	s22 =	simm.s32 $0x1BFF;
	s21 =	sshll.u32 s6, $0x1;
	s3 =	sadd.s32 s4, s19  }
0x9c: {  	s7 =	simm.s32 $0x0;
	s20 =	sshll.u32 s5, $0x1;
	s5 =	sadd.s32 s21, s3  }
0x9d: {  	[timem:s7], [sflag:s22] =	dma.local [hbm:s5], s20  }
0x9e: {  	_ =	swait.ge [sflag:s22], s20  }
0x9f: {  	s4 =	ssub.s32 $0x0, s20;
	[sflag:s22] =	ssyncset.done $0x0  }
0xa0: {  	[sflag:s22] =	ssyncadd.s32 s4;
	_ =	sdelay $0x1  }
0xa1: {  	s23 =	simm.s32 $0x1B8B  }
0xa2: {  	_ =	swait.ge [sflag:s23], $0x1  }
0xa3: {  	[sflag:s23] =	ssyncset.done $0x0  }
0xa4: {  	s25 =	simm.s32 $0x1B8E;
	s24 =	sld [smem:$0x3FFE];
	[sflag:s23] =	ssyncadd.s32 $0xFFFFFFFF  }
0xa5: {  	s26 =	simm.s32 $execute0_lowered;
	[smem:$0x3FD2] =	sst s25  }
0xa6: {  	s5 =	sshll.u32 s26, $0x1;
	_ =	strace $0x80000046;
	[dreg:$0x1] =	wrdreg $0xFFFFFFFF  }
0xa7: {  	s28 =	simm.s32 $_size_execute0_lowered;
	s3 =	sadd.s32 s3, s5;
	[dreg:$0x0] =	wrdreg $0x0  }
0xa8: {  	s5 =	sshll.u32 s28, $0x1;
	[dreg:$0x2] =	wrdreg s3  }
0xa9: {  	[dreg:$0x3] =	wrdreg s5  }
0xaa: {  	[dreg:$0x4] =	wrdreg $0xC0  }
0xab: {  	_ =	task [dreg:s7], $0x5FFFF  }
0xac: {  	[dreg:$0x1] =	wrdreg $0xFFFFFFFF  }
0xad: {  	[dreg:$0x0] =	wrdreg $0x60  }
0xae: {  	[dreg:$0x2] =	wrdreg s24  }
0xaf: {  	[dreg:$0x3] =	wrdreg s2  }
0xb0: {  	[dreg:$0x4] =	wrdreg $0x9  }
0xb1: {  	_ =	task.clear_ibuf [dreg:s7], $0x5FFFF;
	_ =	strace $0x90000046  }
0xb2: {  	s29 =	simm.s32 $0x9;
	_ =	strace $0x80000048  }
0xb3: {  	_ =	swait.ge [sflag:s29], $0x1  }
0xb4: {  	[sflag:s29] =	ssyncadd.s32 $0xFFFFFFFF  }
0xb5: {  	_ =	strace $0x90000048  }
0xb6: {  	_ =	sfence  }
0xb7: {  	s30 =	sld [smem:$0x0];
	_ =	sdelay $0x2  }
0xb8: {  	s31 =	sshll.u32 s1, $0xD;
	s1 =	sshrl.u32 s1, $0x2  }
0xb9: {  	s3 =	sand.u32 $0x4000, s31;
	s1 =	sadd.s32 s1, s30  }
0xba: {  	s0 =	sor.u32 s3, s0;
	s1 =	sshll.u32 s1, $0x11  }
0xbb: {  	s0 =	sor.u32 s1, s0  }
0xbc: {  	s0 =	sadd.s32 $0x8F2B, s0  }
0xbd: {  	[sflag:s0] =	ssyncadd.remote.s32 $0x1  }
0xbe: {  	_ =	sfence.sel $0xFFFF  }
0xbf: {  	[dreg:$0x0] =	wrdreg $0xFFFFFFFF;
	(pc) =	sbr.abs _section_cstart, $3  }
0xc0: {  	[dreg:$0x1] =	wrdreg $0xFFFFFFFF  }
0xc1: {  	_ =	task.clear_ibuf [dreg:s7], $0x2FFFF;
	_ =	strace $0x9FFFFFFF  }
0xc2: {  	(tm) =	ssettm $0x7FFFFFFF  }
0xc3: {  	_ =	shalt  }
tec
execute0_lowered:
.L_overlay_start_1:
0x0: {  	(tag) =	ssettag $0x1  }
0x1: {  	s0 =	srdreg.scid;
	s6 =	rddreg [dreg:$0x0]  }
0x2: {  	s1 =	stileid.u32;
	s2 =	rddreg [dreg:$0x1]  }
0x3: {  	s4 =	simm.s32 $0x0;
	s23 =	simm.s32 $0x7310;
	s24 =	simm.s32 $0x7710  }
0x4: {  	s28 =	simm.s32 $0x8310;
	s29 =	simm.s32 $0x8710;
	s30 =	simm.s32 $0x8B10  }
0x5: {  	s31 =	simm.s32 $0x8F10;
	s12 =	simm.s32 $0x9B10;
	s9 =	simm.s32 $0xAB10  }
0x6: {  	s10 =	simm.s32 $0xAF10;
	s11 =	simm.s32 $0x1;
	s13 =	simm.s32 $0xB310  }
0x7: {  	s14 =	simm.s32 $0x3;
	s0 =	sand.u32 $0x1, s0;
	s1 =	sshll.u32 s1, $0x1  }
0x8: {  	s15 =	simm.s32 $0x2;
	s16 =	simm.s32 $0xE510;
	s1 =	sor.u32 s0, s1  }
0x9: {  	s18 =	simm.s32 $0x0;
	s0 =	ssub.s32 $0x2, s0;
	s3 =	smul.u32 $0x1900, s1  }
0xa: {  	[smem:$0x7FF] =	sst s4;
	s1 =	smul.u32 $0x64000, s1;
	s8 =	sshrl.u32 s0, $0x1  }
0xb: {  	_ =	strace $0x80000047;
	s0 =	ssub.s32 s0, s8;
	s5 =	sshrl.u32 s3, $0x3  }
0xc: {  	s1 =	sshrl.u32 s1, $0x3;
	s0 =	smax.u32 s0, $0x1;
	s7 =	sadd.s32 s5, s6  }
0xd: {  	s5 =	sadd.s32 $0xF43200, s6;
	s6 =	sadd.s32 $0x7200, s6;
	[dreg:$0x7] =	wrdreg s0  }
0xe: {  	s1 =	sadd.s32 s2, s1;
	[dreg:$0x3] =	wrdreg s6;
	s25 =	sadd.s32 $0xE00, s7  }
0xf: {  	s8 =	simm.s32 $0xA710;
	s26 =	sadd.s32 $0xBB80, s1;
	[dreg:$0x4] =	wrdreg s25  }
0x10: {  	s0 =	simm.s32 $0x9710;
	s1 =	sadd.s32 $0xC1C0, s1;
	[dreg:$0x5] =	wrdreg s26  }
0x11: {  	s6 =	simm.s32 $0x9F10;
	s7 =	simm.s32 $0xA310;
	[dreg:$0x6] =	wrdreg s1  }
0x12: {  	v0 =	vimm.s32 $0x0;
	vm0 =	vmmov $0xffff;
	s25 =	simm.s32 $0x7B10;
	s26 =	simm.s32 $0x7F10;
	s1 =	simm.s32 $0x9310  }
.LBB2_1:
0x13: {  	[dreg:$0x8] =	wrdreg s18  }
0x14: {  	s17 =	rddreg [dreg:$0x4];
	s21 =	simm.s32 $0x5  }
0x15: {  	[tilespmem:s4], [sflag:$0x5] =	stream.linear.gather [hbm4b:s17+s4], $0x1900, $0x38;
	[tilespmem:$0x11710] =	vst v63  }
0x16: {  	_ =	swait.ge [sflag:s21], $0x1900  }
0x17: {  	[sflag:s21] =	ssyncset.done $0x0  }
0x18: {  	[sflag:s21] =	ssyncadd.s32 $0xFFFFE700  }
0x19: {  	s19 =	simm.s32 $0x1910;
	s22 =	rddreg [dreg:$0x3];
	[tilespmem:$0x1900] =	vst v0  }
0x1a: {  	[tilespmem:s19], [sflag:$0x5] =	stream.linear.gather [hbm4b:s22+s4], $0x3200, $0x38;
	[tilespmem:$0x11710] =	vst v63  }
0x1b: {  	_ =	swait.ge [sflag:s21], $0x3200  }
0x1c: {  	[sflag:s21] =	ssyncset.done $0x0  }
0x1d: {  	[sflag:s21] =	ssyncadd.s32 $0xFFFFCE00  }
0x1e: {  	v1 =	vld [tilespmem:$0x0];
	_ =	sdelay $0x6  }
0x1f: {  	s18 =	simm.s32 $0x4B10  }
0x20: {  	[tilespmem:s18], [sflag:$0x1] =	stream.indirect_vreg.gather [hbm4b:s5+s4], $0x40, v1, vm0, $0xb8;
	[tilespmem:$0x11710] =	vst v63  }
0x21: {  	v1 =	vld [tilespmem:$0x10];
	_ =	sdelay $0x6  }
0x22: {  	s19 =	simm.s32 $0x4F10  }
0x23: {  	[tilespmem:s19], [sflag:$0x1] =	stream.indirect_vreg.gather [hbm4b:s5+s4], $0x40, v1, vm0, $0xb8;
	[tilespmem:$0x11710] =	vst v63  }
0x24: {  	v1 =	vld [tilespmem:$0x20];
	_ =	sdelay $0x6  }
0x25: {  	s20 =	simm.s32 $0x5310  }
0x26: {  	[tilespmem:s20], [sflag:$0x1] =	stream.indirect_vreg.gather [hbm4b:s5+s4], $0x40, v1, vm0, $0xb8;
	[tilespmem:$0x11710] =	vst v63  }
0x27: {  	v1 =	vld [tilespmem:$0x30];
	_ =	sdelay $0x6  }
0x28: {  	s21 =	simm.s32 $0x5710  }
0x29: {  	[tilespmem:s21], [sflag:$0x1] =	stream.indirect_vreg.gather [hbm4b:s5+s4], $0x40, v1, vm0, $0xb8;
	[tilespmem:$0x11710] =	vst v63  }
0x2a: {  	v1 =	vld [tilespmem:$0x40];
	_ =	sdelay $0x6  }
0x2b: {  	s22 =	simm.s32 $0x5B10  }
0x2c: {  	[tilespmem:s22], [sflag:$0x1] =	stream.indirect_vreg.gather [hbm4b:s5+s4], $0x40, v1, vm0, $0xb8;
	[tilespmem:$0x11710] =	vst v63  }
0x2d: {  	v1 =	vld [tilespmem:$0x50];
	_ =	sdelay $0x6  }
0x2e: {  	s18 =	simm.s32 $0x5F10  }
0x2f: {  	[tilespmem:s18], [sflag:$0x1] =	stream.indirect_vreg.gather [hbm4b:s5+s4], $0x40, v1, vm0, $0xb8;
	[tilespmem:$0x11710] =	vst v63  }
0x30: {  	v1 =	vld [tilespmem:$0x60];
	_ =	sdelay $0x6  }
0x31: {  	s19 =	simm.s32 $0x6310  }
0x32: {  	[tilespmem:s19], [sflag:$0x1] =	stream.indirect_vreg.gather [hbm4b:s5+s4], $0x40, v1, vm0, $0xb8;
	[tilespmem:$0x11710] =	vst v63  }
0x33: {  	v1 =	vld [tilespmem:$0x70];
	_ =	sdelay $0x6  }
0x34: {  	s20 =	simm.s32 $0x6710  }
0x35: {  	[tilespmem:s20], [sflag:$0x1] =	stream.indirect_vreg.gather [hbm4b:s5+s4], $0x40, v1, vm0, $0xb8;
	[tilespmem:$0x11710] =	vst v63  }
0x36: {  	v1 =	vld [tilespmem:$0x80];
	_ =	sdelay $0x6  }
0x37: {  	s21 =	simm.s32 $0x6B10  }
0x38: {  	[tilespmem:s21], [sflag:$0x1] =	stream.indirect_vreg.gather [hbm4b:s5+s4], $0x40, v1, vm0, $0xb8;
	[tilespmem:$0x11710] =	vst v63  }
0x39: {  	v1 =	vld [tilespmem:$0x90];
	_ =	sdelay $0x6  }
0x3a: {  	s22 =	simm.s32 $0x6F10  }
0x3b: {  	[tilespmem:s22], [sflag:$0x1] =	stream.indirect_vreg.gather [hbm4b:s5+s4], $0x40, v1, vm0, $0xb8;
	[tilespmem:$0x11710] =	vst v63  }
0x3c: {  	v1 =	vld [tilespmem:$0xA0];
	_ =	sdelay $0x7  }
0x3d: {  	[tilespmem:s23], [sflag:$0x1] =	stream.indirect_vreg.gather [hbm4b:s5+s4], $0x40, v1, vm0, $0xb8;
	[tilespmem:$0x11710] =	vst v63  }
0x3e: {  	v1 =	vld [tilespmem:$0xB0];
	_ =	sdelay $0x7  }
0x3f: {  	[tilespmem:s24], [sflag:$0x1] =	stream.indirect_vreg.gather [hbm4b:s5+s4], $0x40, v1, vm0, $0xb8;
	[tilespmem:$0x11710] =	vst v63  }
0x40: {  	v1 =	vld [tilespmem:$0xC0];
	_ =	sdelay $0x6  }
0x41: {  	s17 =	simm.s32 $0x0  }
0x42: {  	[tilespmem:s25], [sflag:$0x1] =	stream.indirect_vreg.gather [hbm4b:s5+s4], $0x40, v1, vm0, $0xb8;
	[tilespmem:$0x11710] =	vst v63  }
.LBB2_2:
0x43: {  	p0 =	seq.s32 s17, $0x0  }
0x44: {  	s18 =	simm.s32 @!p0 $0x4  }
0x45: {  	_ =	swait.ge @!p0 [sflag:s18], $0x3200  }
0x46: {  	s19 =	smul.u32 $0x190, s17;
	[sflag:s18] =	ssyncset.done @!p0 $0x0  }
0x47: {  	[sflag:s18] =	ssyncadd.s32 @!p0 $0xFFFFCE00  }
0x48: {  	v1 =	vld [tilespmem:s19+$0xC8];
	_ =	sdelay $0x6  }
0x49: {  	s22 =	simm.s32 $0x0  }
0x4a: {  	[tilespmem:s26], [sflag:$0x2] =	stream.indirect_vreg.gather [hbm4b:s5+s22], $0x40, v1, vm0, $0xb8;
	[tilespmem:$0x11710] =	vst v63  }
0x4b: {  	v1 =	vld [tilespmem:s19+$0xD8];
	_ =	sdelay $0x7  }
0x4c: {  	[tilespmem:s28], [sflag:$0x2] =	stream.indirect_vreg.gather [hbm4b:s5+s22], $0x40, v1, vm0, $0xb8;
	[tilespmem:$0x11710] =	vst v63  }
0x4d: {  	v1 =	vld [tilespmem:s19+$0xE8];
	_ =	sdelay $0x7  }
0x4e: {  	[tilespmem:s29], [sflag:$0x2] =	stream.indirect_vreg.gather [hbm4b:s5+s22], $0x40, v1, vm0, $0xb8;
	[tilespmem:$0x11710] =	vst v63  }
0x4f: {  	v1 =	vld [tilespmem:s19+$0xF8];
	_ =	sdelay $0x7  }
0x50: {  	[tilespmem:s30], [sflag:$0x2] =	stream.indirect_vreg.gather [hbm4b:s5+s22], $0x40, v1, vm0, $0xb8;
	[tilespmem:$0x11710] =	vst v63  }
0x51: {  	v1 =	vld [tilespmem:s19+$0x108];
	_ =	sdelay $0x7  }
0x52: {  	[tilespmem:s31], [sflag:$0x2] =	stream.indirect_vreg.gather [hbm4b:s5+s22], $0x40, v1, vm0, $0xb8;
	[tilespmem:$0x11710] =	vst v63  }
0x53: {  	v1 =	vld [tilespmem:s19+$0x118];
	_ =	sdelay $0x7  }
0x54: {  	[tilespmem:s1], [sflag:$0x2] =	stream.indirect_vreg.gather [hbm4b:s5+s22], $0x40, v1, vm0, $0xb8;
	[tilespmem:$0x11710] =	vst v63  }
0x55: {  	v1 =	vld [tilespmem:s19+$0x128];
	_ =	sdelay $0x7  }
0x56: {  	[tilespmem:s0], [sflag:$0x2] =	stream.indirect_vreg.gather [hbm4b:s5+s22], $0x40, v1, vm0, $0xb8;
	[tilespmem:$0x11710] =	vst v63  }
0x57: {  	v1 =	vld [tilespmem:s19+$0x138];
	_ =	sdelay $0x7  }
0x58: {  	[tilespmem:s12], [sflag:$0x2] =	stream.indirect_vreg.gather [hbm4b:s5+s22], $0x40, v1, vm0, $0xb8;
	[tilespmem:$0x11710] =	vst v63  }
0x59: {  	v1 =	vld [tilespmem:s19+$0x148];
	_ =	sdelay $0x7  }
0x5a: {  	[tilespmem:s6], [sflag:$0x2] =	stream.indirect_vreg.gather [hbm4b:s5+s22], $0x40, v1, vm0, $0xb8;
	[tilespmem:$0x11710] =	vst v63  }
0x5b: {  	v1 =	vld [tilespmem:s19+$0x158];
	_ =	sdelay $0x7  }
0x5c: {  	[tilespmem:s7], [sflag:$0x2] =	stream.indirect_vreg.gather [hbm4b:s5+s22], $0x40, v1, vm0, $0xb8;
	[tilespmem:$0x11710] =	vst v63  }
0x5d: {  	v1 =	vld [tilespmem:s19+$0x168];
	_ =	sdelay $0x7  }
0x5e: {  	[tilespmem:s8], [sflag:$0x2] =	stream.indirect_vreg.gather [hbm4b:s5+s22], $0x40, v1, vm0, $0xb8;
	[tilespmem:$0x11710] =	vst v63  }
0x5f: {  	v1 =	vld [tilespmem:s19+$0x178];
	_ =	sdelay $0x7  }
0x60: {  	[tilespmem:s9], [sflag:$0x2] =	stream.indirect_vreg.gather [hbm4b:s5+s22], $0x40, v1, vm0, $0xb8;
	[tilespmem:$0x11710] =	vst v63  }
0x61: {  	v1 =	vld [tilespmem:s19+$0x188];
	_ =	sdelay $0x7  }
0x62: {  	[tilespmem:s10], [sflag:$0x2] =	stream.indirect_vreg.gather [hbm4b:s5+s22], $0x40, v1, vm0, $0xb8;
	[tilespmem:$0x11710] =	vst v63  }
0x63: {  	_ =	swait.ge [sflag:s11], $0x3400  }
0x64: {  	[sflag:s11] =	ssyncset.done $0x0  }
0x65: {  	s21 =	simm.s32 $0x0;
	[sflag:s11] =	ssyncadd.s32 $0xFFFFCC00  }
0x66: {  	v3 =	vld [tilespmem:s21+$0x4B40]  }
0x67: {  	v5 =	vld [tilespmem:s21+$0x1940]  }
0x68: {  	v6 =	vld [tilespmem:s21+$0x4B10]  }
0x69: {  	v7 =	vld [tilespmem:s21+$0x1910]  }
0x6a: {  	v2 =	vld [tilespmem:s21+$0x4B20]  }
0x6b: {  	v4 =	vld [tilespmem:s21+$0x1920]  }
0x6c: {  	v1 =	vld [tilespmem:s21+$0x4B30];
	v8 =	vadd.f32 v5, v3  }
0x6d: {  	s20 =	simm.s32 $0x40;
	v5 =	vld [tilespmem:s21+$0x1930]  }
0x6e: {  	s18 =	sadd.s32 $0xC8, s19;
	s22 =	simm.s32 $0x200;
	v3 =	vld [tilespmem:s20+$0x4B40];
	v6 =	vadd.f32 v7, v6;
	[tilespmem:s21+$0xB340] =	vst v8  }
.LBB2_3:
0x6f: {  	p0 =	sne.s32 s22, $0xC700;
	v7 =	vld [tilespmem:s20+$0x1940]  }
0x70: {  	v8 =	vld [tilespmem:s20+$0x4B10];
	[tilespmem:s21+$0xB310] =	vst v6;
	v4 =	vadd.f32 v4, v2  }
0x71: {  	v6 =	vld [tilespmem:s20+$0x1910]  }
.Ltmp0:
0x72: {  	v2 =	vld [tilespmem:s20+$0x4B20];
	[tilespmem:s21+$0xB320] =	vst v4;
	v5 =	vadd.f32 v5, v1;
	(pc) =	sbr.rel @p0 .LBB2_3-.Ltmp0, $4  }
0x73: {  	v4 =	vld [tilespmem:s20+$0x1920]  }
0x74: {  	v1 =	vld [tilespmem:s20+$0x4B30];
	v7 =	vadd.f32 v7, v3;
	[tilespmem:s21+$0xB330] =	vst v5;
	s21 =	smov.u32 s20  }
0x75: {  	s20 =	sshra.s32 s22, $0x2;
	v5 =	vld [tilespmem:s21+$0x1930]  }
0x76: {  	s22 =	sadd.s32 $0x100, s22;
	v3 =	vld [tilespmem:s20+$0x4B40];
	v6 =	vadd.f32 v6, v8;
	[tilespmem:s21+$0xB340] =	vst v7  }
0x77: {  	v7 =	vld [tilespmem:s20+$0x1940]  }
0x78: {  	v8 =	vld [tilespmem:s20+$0x4B10];
	[tilespmem:s21+$0xB310] =	vst v6;
	v2 =	vadd.f32 v4, v2  }
0x79: {  	v4 =	vld [tilespmem:s20+$0x1910]  }
0x7a: {  	v6 =	vld [tilespmem:s20+$0x4B20];
	[tilespmem:s21+$0xB320] =	vst v2;
	v1 =	vadd.f32 v5, v1  }
0x7b: {  	v2 =	vld [tilespmem:s20+$0x1920]  }
0x7c: {  	v5 =	vld [tilespmem:s20+$0x4B30];
	[tilespmem:s21+$0xB330] =	vst v1  }
0x7d: {  	v1 =	vld [tilespmem:s20+$0x1930];
	_ =	sdelay $0x1  }
0x7e: {  	v3 =	vadd.f32 v7, v3  }
0x7f: {  	v4 =	vadd.f32 v4, v8  }
0x80: {  	[tilespmem:s20+$0xB340] =	vst v3;
	v2 =	vadd.f32 v2, v6  }
0x81: {  	s19 =	sadd.s32 s3, s19;
	[tilespmem:s20+$0xB310] =	vst v4;
	v1 =	vadd.f32 v1, v5  }
0x82: {  	s19 =	sshll.u32 s19, $0x3;
	[tilespmem:s20+$0xB320] =	vst v2  }
0x83: {  	s19 =	sadd.s32 s2, s19;
	[tilespmem:s20+$0xB330] =	vst v1;
	s20 =	simm.s32 $0x0  }
0x84: {  	[hbm4b:s19+s20] =	stream.linear.scatter [tilespmem:s13], [sflag:$0x3], $0x3200, $0x38;
	[tilespmem:$0x11710] =	vst v63  }
0x85: {  	s21 =	smul.u32 $0x640, s17;
	_ =	swait.ge [sflag:s14], $0x3200  }
0x86: {  	[sflag:s14] =	ssyncset.done $0x0  }
0x87: {  	s19 =	sshra.s32 s21, $0x2;
	[sflag:s14] =	ssyncadd.s32 $0xFFFFCE00  }
0x88: {  	v1 =	vld [tilespmem:s19+$0x190];
	_ =	sdelay $0x6  }
0x89: {  	s22 =	simm.s32 $0x4B10  }
0x8a: {  	[tilespmem:s22], [sflag:$0x1] =	stream.indirect_vreg.gather [hbm4b:s5+s20], $0x40, v1, vm0, $0xb8;
	[tilespmem:$0x11710] =	vst v63  }
0x8b: {  	v1 =	vld [tilespmem:s19+$0x1A0];
	_ =	sdelay $0x6  }
0x8c: {  	s22 =	simm.s32 $0x4F10  }
0x8d: {  	[tilespmem:s22], [sflag:$0x1] =	stream.indirect_vreg.gather [hbm4b:s5+s20], $0x40, v1, vm0, $0xb8;
	[tilespmem:$0x11710] =	vst v63  }
0x8e: {  	v1 =	vld [tilespmem:s19+$0x1B0];
	_ =	sdelay $0x6  }
0x8f: {  	s22 =	simm.s32 $0x5310  }
0x90: {  	[tilespmem:s22], [sflag:$0x1] =	stream.indirect_vreg.gather [hbm4b:s5+s20], $0x40, v1, vm0, $0xb8;
	[tilespmem:$0x11710] =	vst v63  }
0x91: {  	v1 =	vld [tilespmem:s19+$0x1C0];
	_ =	sdelay $0x6  }
0x92: {  	s22 =	simm.s32 $0x5710  }
0x93: {  	[tilespmem:s22], [sflag:$0x1] =	stream.indirect_vreg.gather [hbm4b:s5+s20], $0x40, v1, vm0, $0xb8;
	[tilespmem:$0x11710] =	vst v63  }
0x94: {  	v1 =	vld [tilespmem:s19+$0x1D0];
	_ =	sdelay $0x6  }
0x95: {  	s22 =	simm.s32 $0x5B10  }
0x96: {  	[tilespmem:s22], [sflag:$0x1] =	stream.indirect_vreg.gather [hbm4b:s5+s20], $0x40, v1, vm0, $0xb8;
	[tilespmem:$0x11710] =	vst v63  }
0x97: {  	v1 =	vld [tilespmem:s19+$0x1E0];
	_ =	sdelay $0x6  }
0x98: {  	s22 =	simm.s32 $0x5F10  }
0x99: {  	[tilespmem:s22], [sflag:$0x1] =	stream.indirect_vreg.gather [hbm4b:s5+s20], $0x40, v1, vm0, $0xb8;
	[tilespmem:$0x11710] =	vst v63  }
0x9a: {  	v1 =	vld [tilespmem:s19+$0x1F0];
	_ =	sdelay $0x6  }
0x9b: {  	s22 =	simm.s32 $0x6310  }
0x9c: {  	[tilespmem:s22], [sflag:$0x1] =	stream.indirect_vreg.gather [hbm4b:s5+s20], $0x40, v1, vm0, $0xb8;
	[tilespmem:$0x11710] =	vst v63  }
0x9d: {  	v1 =	vld [tilespmem:s19+$0x200];
	_ =	sdelay $0x6  }
0x9e: {  	s22 =	simm.s32 $0x6710  }
0x9f: {  	[tilespmem:s22], [sflag:$0x1] =	stream.indirect_vreg.gather [hbm4b:s5+s20], $0x40, v1, vm0, $0xb8;
	[tilespmem:$0x11710] =	vst v63  }
0xa0: {  	v1 =	vld [tilespmem:s19+$0x210];
	_ =	sdelay $0x6  }
0xa1: {  	s22 =	simm.s32 $0x6B10  }
0xa2: {  	[tilespmem:s22], [sflag:$0x1] =	stream.indirect_vreg.gather [hbm4b:s5+s20], $0x40, v1, vm0, $0xb8;
	[tilespmem:$0x11710] =	vst v63  }
0xa3: {  	v1 =	vld [tilespmem:s19+$0x220];
	_ =	sdelay $0x6  }
0xa4: {  	s22 =	simm.s32 $0x6F10  }
0xa5: {  	[tilespmem:s22], [sflag:$0x1] =	stream.indirect_vreg.gather [hbm4b:s5+s20], $0x40, v1, vm0, $0xb8;
	[tilespmem:$0x11710] =	vst v63  }
0xa6: {  	v1 =	vld [tilespmem:s19+$0x230];
	_ =	sdelay $0x7  }
0xa7: {  	[tilespmem:s23], [sflag:$0x1] =	stream.indirect_vreg.gather [hbm4b:s5+s20], $0x40, v1, vm0, $0xb8;
	[tilespmem:$0x11710] =	vst v63  }
0xa8: {  	v1 =	vld [tilespmem:s19+$0x240];
	_ =	sdelay $0x7  }
0xa9: {  	[tilespmem:s24], [sflag:$0x1] =	stream.indirect_vreg.gather [hbm4b:s5+s20], $0x40, v1, vm0, $0xb8;
	[tilespmem:$0x11710] =	vst v63  }
0xaa: {  	v1 =	vld [tilespmem:s19+$0x250];
	_ =	sdelay $0x7  }
0xab: {  	[tilespmem:s25], [sflag:$0x1] =	stream.indirect_vreg.gather [hbm4b:s5+s20], $0x40, v1, vm0, $0xb8;
	[tilespmem:$0x11710] =	vst v63  }
0xac: {  	_ =	swait.ge [sflag:s15], $0x3400  }
0xad: {  	[sflag:s15] =	ssyncset.done $0x0  }
0xae: {  	s20 =	simm.s32 $0x0;
	[sflag:s15] =	ssyncadd.s32 $0xFFFFCC00  }
0xaf: {  	v3 =	vld [tilespmem:s20+$0x7F40]  }
0xb0: {  	v5 =	vld [tilespmem:s20+$0x1940]  }
0xb1: {  	v6 =	vld [tilespmem:s20+$0x7F10]  }
0xb2: {  	v7 =	vld [tilespmem:s20+$0x1910]  }
0xb3: {  	v2 =	vld [tilespmem:s20+$0x7F20]  }
0xb4: {  	v4 =	vld [tilespmem:s20+$0x1920]  }
0xb5: {  	v1 =	vld [tilespmem:s20+$0x7F30];
	v8 =	vadd.f32 v5, v3  }
0xb6: {  	s19 =	simm.s32 $0x40;
	v5 =	vld [tilespmem:s20+$0x1930]  }
0xb7: {  	s21 =	simm.s32 $0x200;
	v3 =	vld [tilespmem:s19+$0x7F40];
	v6 =	vadd.f32 v7, v6;
	[tilespmem:s20+$0xE540] =	vst v8  }
.LBB2_5:
0xb8: {  	p0 =	sne.s32 s21, $0xC700;
	v7 =	vld [tilespmem:s19+$0x1940]  }
0xb9: {  	v8 =	vld [tilespmem:s19+$0x7F10];
	[tilespmem:s20+$0xE510] =	vst v6;
	v4 =	vadd.f32 v4, v2  }
0xba: {  	v6 =	vld [tilespmem:s19+$0x1910]  }
.Ltmp1:
0xbb: {  	v2 =	vld [tilespmem:s19+$0x7F20];
	[tilespmem:s20+$0xE520] =	vst v4;
	v5 =	vadd.f32 v5, v1;
	(pc) =	sbr.rel @p0 .LBB2_5-.Ltmp1, $4  }
0xbc: {  	v4 =	vld [tilespmem:s19+$0x1920]  }
0xbd: {  	v1 =	vld [tilespmem:s19+$0x7F30];
	v7 =	vadd.f32 v7, v3;
	[tilespmem:s20+$0xE530] =	vst v5;
	s20 =	smov.u32 s19  }
0xbe: {  	s19 =	sshra.s32 s21, $0x2;
	v5 =	vld [tilespmem:s20+$0x1930]  }
0xbf: {  	s21 =	sadd.s32 $0x100, s21;
	v3 =	vld [tilespmem:s19+$0x7F40];
	v6 =	vadd.f32 v6, v8;
	[tilespmem:s20+$0xE540] =	vst v7  }
0xc0: {  	v7 =	vld [tilespmem:s19+$0x1940]  }
0xc1: {  	v8 =	vld [tilespmem:s19+$0x7F10];
	[tilespmem:s20+$0xE510] =	vst v6;
	v2 =	vadd.f32 v4, v2  }
0xc2: {  	v62 =	vld [tilespmem:s19+$0x1910]  }
0xc3: {  	v6 =	vld [tilespmem:s19+$0x7F20];
	[tilespmem:s20+$0xE520] =	vst v2;
	v1 =	vadd.f32 v5, v1  }
0xc4: {  	v2 =	vld [tilespmem:s19+$0x1920]  }
0xc5: {  	v63 =	vld [tilespmem:s19+$0x7F30];
	[tilespmem:s20+$0xE530] =	vst v1  }
0xc6: {  	v1 =	vld [tilespmem:s19+$0x1930];
	_ =	sdelay $0x1  }
0xc7: {  	s17 =	sadd.s32 $0x1, s17;
	v3 =	vadd.f32 v7, v3  }
0xc8: {  	p0 =	sne.s32 s17, $0xF;
	v4 =	vadd.f32 v62, v8  }
.Ltmp2:
0xc9: {  	s18 =	sadd.s32 s3, s18;
	[tilespmem:s19+$0xE540] =	vst v3;
	v2 =	vadd.f32 v2, v6;
	(pc) =	sbr.rel @p0 .LBB2_2-.Ltmp2, $4  }
0xca: {  	s18 =	sshll.u32 s18, $0x3;
	[tilespmem:s19+$0xE510] =	vst v4;
	v1 =	vadd.f32 v1, v63  }
0xcb: {  	s18 =	sand.u32 $0x1FFFFFC0, s18;
	[tilespmem:s19+$0xE520] =	vst v2  }
0xcc: {  	s18 =	sadd.s32 s2, s18;
	[tilespmem:s19+$0xE530] =	vst v1  }
0xcd: {  	[hbm4b:s18+s4] =	stream.linear.scatter [tilespmem:s16], [sflag:$0x4], $0x3200, $0x38;
	[tilespmem:$0x11710] =	vst v63  }
0xce: {  	s20 =	simm.s32 $0x4  }
0xcf: {  	_ =	swait.ge [sflag:s20], $0x3200  }
0xd0: {  	[sflag:s20] =	ssyncset.done $0x0  }
0xd1: {  	[sflag:s20] =	ssyncadd.s32 $0xFFFFCE00  }
0xd2: {  	v1 =	vld [tilespmem:$0x1838];
	_ =	sdelay $0x6  }
0xd3: {  	s17 =	simm.s32 $0x0  }
0xd4: {  	[tilespmem:s26], [sflag:$0x2] =	stream.indirect_vreg.gather [hbm4b:s5+s17], $0x40, v1, vm0, $0xb8;
	[tilespmem:$0x11710] =	vst v63  }
0xd5: {  	v1 =	vld [tilespmem:$0x1848];
	_ =	sdelay $0x7  }
0xd6: {  	[tilespmem:s28], [sflag:$0x2] =	stream.indirect_vreg.gather [hbm4b:s5+s17], $0x40, v1, vm0, $0xb8;
	[tilespmem:$0x11710] =	vst v63  }
0xd7: {  	v1 =	vld [tilespmem:$0x1858];
	_ =	sdelay $0x7  }
0xd8: {  	[tilespmem:s29], [sflag:$0x2] =	stream.indirect_vreg.gather [hbm4b:s5+s17], $0x40, v1, vm0, $0xb8;
	[tilespmem:$0x11710] =	vst v63  }
0xd9: {  	v1 =	vld [tilespmem:$0x1868];
	_ =	sdelay $0x7  }
0xda: {  	[tilespmem:s30], [sflag:$0x2] =	stream.indirect_vreg.gather [hbm4b:s5+s17], $0x40, v1, vm0, $0xb8;
	[tilespmem:$0x11710] =	vst v63  }
0xdb: {  	v1 =	vld [tilespmem:$0x1878];
	_ =	sdelay $0x7  }
0xdc: {  	[tilespmem:s31], [sflag:$0x2] =	stream.indirect_vreg.gather [hbm4b:s5+s17], $0x40, v1, vm0, $0xb8;
	[tilespmem:$0x11710] =	vst v63  }
0xdd: {  	v1 =	vld [tilespmem:$0x1888];
	_ =	sdelay $0x7  }
0xde: {  	[tilespmem:s1], [sflag:$0x2] =	stream.indirect_vreg.gather [hbm4b:s5+s17], $0x40, v1, vm0, $0xb8;
	[tilespmem:$0x11710] =	vst v63  }
0xdf: {  	v1 =	vld [tilespmem:$0x1898];
	_ =	sdelay $0x7  }
0xe0: {  	[tilespmem:s0], [sflag:$0x2] =	stream.indirect_vreg.gather [hbm4b:s5+s17], $0x40, v1, vm0, $0xb8;
	[tilespmem:$0x11710] =	vst v63  }
0xe1: {  	v1 =	vld [tilespmem:$0x18A8];
	_ =	sdelay $0x7  }
0xe2: {  	[tilespmem:s12], [sflag:$0x2] =	stream.indirect_vreg.gather [hbm4b:s5+s17], $0x40, v1, vm0, $0xb8;
	[tilespmem:$0x11710] =	vst v63  }
0xe3: {  	v1 =	vld [tilespmem:$0x18B8];
	_ =	sdelay $0x7  }
0xe4: {  	[tilespmem:s6], [sflag:$0x2] =	stream.indirect_vreg.gather [hbm4b:s5+s17], $0x40, v1, vm0, $0xb8;
	[tilespmem:$0x11710] =	vst v63  }
0xe5: {  	v1 =	vld [tilespmem:$0x18C8];
	_ =	sdelay $0x7  }
0xe6: {  	[tilespmem:s7], [sflag:$0x2] =	stream.indirect_vreg.gather [hbm4b:s5+s17], $0x40, v1, vm0, $0xb8;
	[tilespmem:$0x11710] =	vst v63  }
0xe7: {  	v1 =	vld [tilespmem:$0x18D8];
	_ =	sdelay $0x7  }
0xe8: {  	[tilespmem:s8], [sflag:$0x2] =	stream.indirect_vreg.gather [hbm4b:s5+s17], $0x40, v1, vm0, $0xb8;
	[tilespmem:$0x11710] =	vst v63  }
0xe9: {  	v1 =	vld [tilespmem:$0x18E8];
	_ =	sdelay $0x7  }
0xea: {  	[tilespmem:s9], [sflag:$0x2] =	stream.indirect_vreg.gather [hbm4b:s5+s17], $0x40, v1, vm0, $0xb8;
	[tilespmem:$0x11710] =	vst v63  }
0xeb: {  	v1 =	vld [tilespmem:$0x18F8];
	_ =	sdelay $0x7  }
0xec: {  	[tilespmem:s10], [sflag:$0x2] =	stream.indirect_vreg.gather [hbm4b:s5+s17], $0x40, v1, vm0, $0xb8;
	[tilespmem:$0x11710] =	vst v63  }
0xed: {  	_ =	swait.ge [sflag:s11], $0x3400  }
0xee: {  	[sflag:s11] =	ssyncset.done $0x0  }
0xef: {  	s17 =	simm.s32 $0x0;
	[sflag:s11] =	ssyncadd.s32 $0xFFFFCC00  }
0xf0: {  	v3 =	vld [tilespmem:s17+$0x4B40]  }
0xf1: {  	v5 =	vld [tilespmem:s17+$0x1940]  }
0xf2: {  	v6 =	vld [tilespmem:s17+$0x4B10]  }
0xf3: {  	v7 =	vld [tilespmem:s17+$0x1910]  }
0xf4: {  	v2 =	vld [tilespmem:s17+$0x4B20]  }
0xf5: {  	v4 =	vld [tilespmem:s17+$0x1920]  }
0xf6: {  	v1 =	vld [tilespmem:s17+$0x4B30];
	v8 =	vadd.f32 v5, v3  }
0xf7: {  	s18 =	simm.s32 $0x40;
	v5 =	vld [tilespmem:s17+$0x1930]  }
0xf8: {  	s19 =	simm.s32 $0x200;
	v3 =	vld [tilespmem:s18+$0x4B40];
	v6 =	vadd.f32 v7, v6;
	[tilespmem:s17+$0xB340] =	vst v8  }
.LBB2_8:
0xf9: {  	p0 =	sne.s32 s19, $0xC700;
	v7 =	vld [tilespmem:s18+$0x1940]  }
0xfa: {  	v8 =	vld [tilespmem:s18+$0x4B10];
	[tilespmem:s17+$0xB310] =	vst v6;
	v4 =	vadd.f32 v4, v2  }
0xfb: {  	v6 =	vld [tilespmem:s18+$0x1910]  }
.Ltmp3:
0xfc: {  	v2 =	vld [tilespmem:s18+$0x4B20];
	[tilespmem:s17+$0xB320] =	vst v4;
	v5 =	vadd.f32 v5, v1;
	(pc) =	sbr.rel @p0 .LBB2_8-.Ltmp3, $4  }
0xfd: {  	v4 =	vld [tilespmem:s18+$0x1920]  }
0xfe: {  	v1 =	vld [tilespmem:s18+$0x4B30];
	v7 =	vadd.f32 v7, v3;
	[tilespmem:s17+$0xB330] =	vst v5;
	s17 =	smov.u32 s18  }
0xff: {  	s18 =	sshra.s32 s19, $0x2;
	v5 =	vld [tilespmem:s17+$0x1930]  }
0x100: {  	s19 =	sadd.s32 $0x100, s19;
	v3 =	vld [tilespmem:s18+$0x4B40];
	v6 =	vadd.f32 v6, v8;
	[tilespmem:s17+$0xB340] =	vst v7  }
0x101: {  	v7 =	vld [tilespmem:s18+$0x1940]  }
0x102: {  	v8 =	vld [tilespmem:s18+$0x4B10];
	[tilespmem:s17+$0xB310] =	vst v6;
	v2 =	vadd.f32 v4, v2  }
0x103: {  	v4 =	vld [tilespmem:s18+$0x1910]  }
0x104: {  	v6 =	vld [tilespmem:s18+$0x4B20];
	[tilespmem:s17+$0xB320] =	vst v2;
	v1 =	vadd.f32 v5, v1  }
0x105: {  	v2 =	vld [tilespmem:s18+$0x1920]  }
0x106: {  	v5 =	vld [tilespmem:s18+$0x4B30];
	[tilespmem:s17+$0xB330] =	vst v1  }
0x107: {  	v1 =	vld [tilespmem:s18+$0x1930];
	_ =	sdelay $0x1  }
0x108: {  	v3 =	vadd.f32 v7, v3  }
0x109: {  	v4 =	vadd.f32 v4, v8  }
0x10a: {  	[tilespmem:s18+$0xB340] =	vst v3;
	v2 =	vadd.f32 v2, v6  }
0x10b: {  	[tilespmem:s18+$0xB310] =	vst v4;
	v1 =	vadd.f32 v1, v5  }
0x10c: {  	[tilespmem:s18+$0xB320] =	vst v2  }
0x10d: {  	s21 =	simm.s32 $0x0;
	s22 =	rddreg [dreg:$0x5];
	[tilespmem:s18+$0xB330] =	vst v1  }
0x10e: {  	[hbm4b:s22+s21] =	stream.linear.scatter [tilespmem:s13], [sflag:$0x3], $0x3200, $0x38;
	[tilespmem:$0x11710] =	vst v63  }
0x10f: {  	_ =	swait.ge [sflag:s15], $0x3400  }
0x110: {  	[sflag:s15] =	ssyncset.done $0x0  }
0x111: {  	s17 =	simm.s32 $0x0;
	[sflag:s15] =	ssyncadd.s32 $0xFFFFCC00  }
0x112: {  	v3 =	vld [tilespmem:s17+$0x7F40]  }
0x113: {  	v5 =	vld [tilespmem:s17+$0x1940]  }
0x114: {  	v6 =	vld [tilespmem:s17+$0x7F10]  }
0x115: {  	v7 =	vld [tilespmem:s17+$0x1910]  }
0x116: {  	v2 =	vld [tilespmem:s17+$0x7F20]  }
0x117: {  	v4 =	vld [tilespmem:s17+$0x1920]  }
0x118: {  	v1 =	vld [tilespmem:s17+$0x7F30];
	v8 =	vadd.f32 v5, v3  }
0x119: {  	s18 =	simm.s32 $0x40;
	v5 =	vld [tilespmem:s17+$0x1930]  }
0x11a: {  	s19 =	simm.s32 $0x200;
	v3 =	vld [tilespmem:s18+$0x7F40];
	v6 =	vadd.f32 v7, v6;
	[tilespmem:s17+$0xE540] =	vst v8  }
.LBB2_10:
0x11b: {  	p0 =	sne.s32 s19, $0xC700;
	v7 =	vld [tilespmem:s18+$0x1940]  }
0x11c: {  	v8 =	vld [tilespmem:s18+$0x7F10];
	[tilespmem:s17+$0xE510] =	vst v6;
	v4 =	vadd.f32 v4, v2  }
0x11d: {  	v6 =	vld [tilespmem:s18+$0x1910]  }
.Ltmp4:
0x11e: {  	v2 =	vld [tilespmem:s18+$0x7F20];
	[tilespmem:s17+$0xE520] =	vst v4;
	v5 =	vadd.f32 v5, v1;
	(pc) =	sbr.rel @p0 .LBB2_10-.Ltmp4, $4  }
0x11f: {  	v4 =	vld [tilespmem:s18+$0x1920]  }
0x120: {  	v1 =	vld [tilespmem:s18+$0x7F30];
	v7 =	vadd.f32 v7, v3;
	[tilespmem:s17+$0xE530] =	vst v5;
	s17 =	smov.u32 s18  }
0x121: {  	s18 =	sshra.s32 s19, $0x2;
	v5 =	vld [tilespmem:s17+$0x1930]  }
0x122: {  	s19 =	sadd.s32 $0x100, s19;
	v3 =	vld [tilespmem:s18+$0x7F40];
	v6 =	vadd.f32 v6, v8;
	[tilespmem:s17+$0xE540] =	vst v7  }
0x123: {  	v7 =	vld [tilespmem:s18+$0x1940]  }
0x124: {  	v8 =	vld [tilespmem:s18+$0x7F10];
	[tilespmem:s17+$0xE510] =	vst v6;
	v2 =	vadd.f32 v4, v2  }
0x125: {  	v62 =	vld [tilespmem:s18+$0x1910]  }
0x126: {  	v6 =	vld [tilespmem:s18+$0x7F20];
	[tilespmem:s17+$0xE520] =	vst v2;
	v1 =	vadd.f32 v5, v1  }
0x127: {  	v2 =	vld [tilespmem:s18+$0x1920]  }
0x128: {  	v63 =	vld [tilespmem:s18+$0x7F30];
	[tilespmem:s17+$0xE530] =	vst v1  }
0x129: {  	v1 =	vld [tilespmem:s18+$0x1930];
	_ =	sdelay $0x1  }
0x12a: {  	v3 =	vadd.f32 v7, v3  }
0x12b: {  	v4 =	vadd.f32 v62, v8  }
0x12c: {  	[tilespmem:s18+$0xE540] =	vst v3;
	v2 =	vadd.f32 v2, v6  }
0x12d: {  	[tilespmem:s18+$0xE510] =	vst v4;
	v1 =	vadd.f32 v1, v63  }
0x12e: {  	[tilespmem:s18+$0xE520] =	vst v2  }
0x12f: {  	s19 =	rddreg [dreg:$0x6];
	[tilespmem:s18+$0xE530] =	vst v1  }
0x130: {  	[hbm4b:s19+s4] =	stream.linear.scatter [tilespmem:s16], [sflag:$0x4], $0x3200, $0x38;
	[tilespmem:$0x11710] =	vst v63  }
0x131: {  	_ =	swait.ge [sflag:s14], $0x3200  }
0x132: {  	[sflag:s14] =	ssyncset.done $0x0  }
0x133: {  	[sflag:s14] =	ssyncadd.s32 $0xFFFFCE00  }
0x134: {  	_ =	swait.ge [sflag:s20], $0x3200  }
0x135: {  	s21 =	rddreg [dreg:$0x8]  }
0x136: {  	s22 =	rddreg [dreg:$0x7];
	s18 =	sadd.s32 $0x1, s21  }
0x137: {  	p0 =	sne.s32 s18, s22  }
.Ltmp5:
0x138: {  	_ = 	snop;
	(pc) =	sbr.rel @p0 .LBB2_1-.Ltmp5, $3  }
0x139: {  	_ =	sdelay $0x1  }
0x13a: {  	[sflag:s20] =	ssyncset.done $0x0  }
0x13b: {  	[sflag:s20] =	ssyncadd.s32 $0xFFFFCE00  }
0x13c: {  	_ =	sfence.sel $0x180000  }
0x13d: {  	[bflag:$0x0] =	sbarrier.arrive $0xFFFF  }
0x13e: {  	_ =	strace $0x90000047  }
0x13f: {  	s0 =	stileid.u32;
	[bflag:$0x2] =	sbarrier.arrive $0xFFFF  }
0x140: {  	p0 =	sne.s32 s0, $0x0;
	s0 =	rddreg [dreg:$0x2]  }
0x141: {  	s0 =	sadd.s32 @!p0 $0x100000, s0  }
0x142: {  	[sflag:s0] =	ssyncadd.tile.s32 @!p0 $0x1;
	_ =	shalt  }
.Lfunc_end2:
_tile_overlayer_lowered:
.L_overlay_start_2:
0x143: {  	(tag) =	ssettag $0x2  }
0x144: {  	s0 =	rddreg [dreg:$0x0];
	s2 =	stileid.u32  }
0x145: {  	s1 =	rddreg [dreg:$0x1];
	p0 =	sne.s32 s2, $0x0  }
0x146: {  	s3 =	rddreg [dreg:$0x2];
	[bflag:$0x3] =	sbarrier.arrive $0xFFFF;
	s2 =	simm.s32 @!p0 $0x1C05  }
0x147: {  	[timem:s3], [sflag:s2] =	dma.local @!p0 [hbm:s0], s1  }
0x148: {  	s0 =	simm.s32 @!p0 $0x5  }
0x149: {  	_ =	swait.ge @!p0 [sflag:s0], s1  }
0x14a: {  	s1 =	ssub.s32 @!p0 $0x0, s1;
	[sflag:s0] =	ssyncset.done @!p0 $0x0  }
0x14b: {  	[sflag:s0] =	ssyncadd.s32 @!p0 s1  }
0x14c: {  	[bflag:$0x3] =	sbarrier.arrive $0xFFFF  }
0x14d: {  	_ =	shalt  }

// kernel: sparse-core-data-format-call.cloned.1.call-start
scs
called_computation_lowered:
.L_overlay_start_0:
0x0: {  	s2 =	sld [smem:$0x3FD9]  }
0x1: {  	s3 =	sld [smem:$0x3FFE];
	_ =	sdelay $0x1  }
0x2: {  	s1 =	srdreg.scid  }
0x3: {  	s0 =	sand.u32 $0x1, s1  }
0x4: {  	s18 =	sshll.u32 s0, $0xA;
	s2 =	sadd.s32 s3, s2  }
0x5: {  	s2 =	sadd.s32 s2, s18  }
0x6: {  	[smem:$0x3FC5] =	sst s2  }
0x7: {  	_ = 	snop  }
0x8: {  	s2 =	sld [smem:$0x3FD0];
	(tm) =	ssettm $0x1  }
0x9: {  	s19 =	sld [smem:$0x3FFB];
	_ =	sdelay $0x3  }
0xa: {  	_ =	strace s19  }
0xb: {  	s3 =	sld [smem:$0x3FFC];
	_ =	sdelay $0x3  }
0xc: {  	_ =	strace s3  }
0xd: {  	s3 =	sld [smem:$0x3FFD];
	_ =	sdelay $0x3  }
0xe: {  	_ =	strace s3  }
0xf: {  	_ =	strace $0x8FFFFFFF  }
0x10: {  	s20 =	sld [smem:$0x3FDB];
	_ =	sdelay $0x1  }
0x11: {  	s4 =	simm.s32 $_scs_section_size  }
0x12: {  	s5 =	simm.s32 $_size__tile_overlayer_lowered;
	s6 =	simm.s32 $_tile_overlayer_lowered  }
0x13: {  	s23 =	simm.s32 $0x1BFF;
	s22 =	sshll.u32 s6, $0x1;
	s3 =	sadd.s32 s4, s20  }
0x14: {  	s7 =	simm.s32 $0x0;
	s21 =	sshll.u32 s5, $0x1;
	s5 =	sadd.s32 s22, s3  }
0x15: {  	[timem:s7], [sflag:s23] =	dma.local [hbm:s5], s21  }
0x16: {  	_ =	swait.ge [sflag:s23], s21  }
0x17: {  	s4 =	ssub.s32 $0x0, s21;
	[sflag:s23] =	ssyncset.done $0x0  }
0x18: {  	[sflag:s23] =	ssyncadd.s32 s4;
	_ =	sdelay $0x1  }
0x19: {  	s24 =	simm.s32 $0x1B8B  }
0x1a: {  	_ =	swait.ge [sflag:s24], $0x1  }
0x1b: {  	[sflag:s24] =	ssyncset.done $0x0  }
0x1c: {  	s26 =	simm.s32 $0x1B8E;
	s25 =	sld [smem:$0x3FFE];
	[sflag:s24] =	ssyncadd.s32 $0xFFFFFFFF  }
0x1d: {  	s27 =	simm.s32 $execute0_lowered;
	[smem:$0x3FD2] =	sst s26  }
0x1e: {  	s5 =	sshll.u32 s27, $0x1;
	_ =	strace $0x80000049;
	[dreg:$0x1] =	wrdreg $0xFFFFFFFF  }
0x1f: {  	s28 =	simm.s32 $_size_execute0_lowered;
	s3 =	sadd.s32 s3, s5;
	[dreg:$0x0] =	wrdreg $0x0  }
0x20: {  	s5 =	sshll.u32 s28, $0x1;
	[dreg:$0x2] =	wrdreg s3  }
0x21: {  	[dreg:$0x3] =	wrdreg s5  }
0x22: {  	[dreg:$0x4] =	wrdreg $0xC0  }
0x23: {  	_ =	task [dreg:s7], $0x5FFFF  }
0x24: {  	[dreg:$0x1] =	wrdreg $0xFFFFFFFF  }
0x25: {  	[dreg:$0x0] =	wrdreg $0x60  }
0x26: {  	[dreg:$0x2] =	wrdreg s25  }
0x27: {  	[dreg:$0x3] =	wrdreg s2  }
0x28: {  	[dreg:$0x4] =	wrdreg $0x9  }
0x29: {  	_ =	task.clear_ibuf [dreg:s7], $0x5FFFF;
	_ =	strace $0x90000049  }
0x2a: {  	s29 =	simm.s32 $0x9;
	_ =	strace $0x8000004B  }
0x2b: {  	_ =	swait.ge [sflag:s29], $0x1  }
0x2c: {  	[sflag:s29] =	ssyncadd.s32 $0xFFFFFFFF  }
0x2d: {  	_ =	strace $0x9000004B  }
0x2e: {  	_ =	sfence  }
0x2f: {  	s30 =	sld [smem:$0x0];
	_ =	sdelay $0x2  }
0x30: {  	s31 =	sshll.u32 s1, $0xD;
	s1 =	sshrl.u32 s1, $0x2  }
0x31: {  	s3 =	sand.u32 $0x4000, s31;
	s1 =	sadd.s32 s1, s30  }
0x32: {  	s0 =	sor.u32 s3, s0;
	s1 =	sshll.u32 s1, $0x11  }
0x33: {  	s0 =	sor.u32 s1, s0  }
0x34: {  	s0 =	sadd.s32 $0x8F2B, s0  }
0x35: {  	[sflag:s0] =	ssyncadd.remote.s32 $0x1  }
0x36: {  	_ =	sfence.sel $0xFFFF  }
0x37: {  	[dreg:$0x0] =	wrdreg $0xFFFFFFFF;
	(pc) =	sbr.abs _section_cstart, $3  }
0x38: {  	[dreg:$0x1] =	wrdreg $0xFFFFFFFF  }
0x39: {  	_ =	task.clear_ibuf [dreg:s7], $0x2FFFF;
	_ =	strace $0x9FFFFFFF  }
0x3a: {  	(tm) =	ssettm $0x7FFFFFFF  }
0x3b: {  	_ =	shalt  }
tec
execute0_lowered:
.L_overlay_start_1:
0x0: {  	(tag) =	ssettag $0x1  }
0x1: {  	s0 =	stileid.u32;
	s6 =	rddreg [dreg:$0x0]  }
0x2: {  	s2 =	rddreg [dreg:$0x1];
	s5 =	srdreg.scid  }
0x3: {  	s31 =	simm.s32 $0x2;
	s13 =	simm.s32 $0x0;
	s1 =	sshll.u32 s0, $0x7  }
0x4: {  	s14 =	simm.s32 $0x0;
	s12 =	simm.s32 $0x0;
	s3 =	sand.u32 $0x380, s1  }
0x5: {  	s5 =	sshll.u32 s5, $0x4;
	s6 =	sadd.s32 $0xE00, s6;
	s4 =	ssub.s32 $0x400, s3  }
0x6: {  	s1 =	rddreg [dreg:$0x2];
	_ =	strace $0x8000004A;
	s7 =	sand.u32 $0x380, s4  }
0x7: {  	s5 =	sand.u32 $0x10, s5;
	p0 =	sne.s32 s7, $0x0;
	s7 =	simm.s32 $0x1  }
.Ltmp0:
0x8: {  	s8 =	sshrl.u32 s4, $0xA;
	s7 =	simm.s32 @!p0 $0x0;
	(pc) =	sbr.rel .LBB1_1-.Ltmp0, $4  }
0x9: {  	s9 =	sor.u32 s0, s5;
	s4 =	simm.s32 $0x1;
	s30 =	sadd.s32 s7, s8  }
0xa: {  	s11 =	smov.u32 s3;
	[sflag:s4] =	ssyncpa.u1 $0x0;
	s5 =	smul.u32 $0x32, s30  }
0xb: {  	[sflag:s31] =	ssyncpa.u1 $0x0;
	p0 =	por $0x0, $0x0;
	s7 =	sshrl.u32 s9, $0x3  }
0xc: {  	s9 =	simm.s32 $0x2000;
	s10 =	smov.u32 s7;
	s8 =	sor.u32 $0x1, s5  }
.LBB1_4:
0xd: {  	s17 =	sand.u32 $0x1F80, s14;
	s13 =	sshll.u32 s13, $0xD  }
0xe: {  	[tilespmem:s16+$0x810 ss:$0x81] =	vst.msk $0xffff, v2;
	s18 =	sshrl.u32 s14, $0x3;
	s31 =	sand.u32 $0x7, s14;
	s17 =	sadd.s32 s2, s17  }
0xf: {  	[tilespmem:s16+$0x1020 ss:$0x81] =	vst.msk $0xffff, v0;
	s18 =	sand.u32 $0xF, s18;
	s14 =	sshll.u32 s31, $0x12;
	s13 =	sadd.s32 s13, s17  }
0x10: {  	[tilespmem:s16+$0x0 ss:$0x81] =	vst.msk $0xffff, v1;
	s14 =	sor.u32 $0x400, s14;
	s13 =	sadd.s32 s18, s13  }
0x11: {  	[hbm4b:s13+s14] =	stream.strided.scatter [tilespmem:s15], [sflag:$0x2], $0x2000, s9, s14, $0x20;
	[tilespmem:$0x8080] =	vst v63  }
.LBB1_5:
0x12: {  	s15 =	sadd.s32 $0x4, s10  }
0x13: {  	s13 =	sadd.s32 $0x400, s11;
	s17 =	smov.u32 s11;
	p2 =	sgt.s32 s15, $0xC7  }
0x14: {  	s17 =	smov.u32 @p2 s13  }
0x15: {  	s15 =	smov.u32 @p2 s7;
	p2 =	sgt.s32 s17, $0x3FF  }
0x16: {  	s17 =	smov.u32 @p2 s3;
	p2 =	sne.s32 s12, s8  }
.Ltmp1:
0x17: {  	p1 =	slt.u32 s12, $0x2;
	(pc) =	sbr.rel @!p2 .LBB1_6-.Ltmp1, $4  }
0x18: {  	s16 =	simm.s32 @!p1 $0x2  }
0x19: {  	s14 =	smov.u32 s11;
	p0 =	por !p0, !p0;
	_ =	swait.ge @!p1 [sflag:s16], $0x2000  }
0x1a: {  	s13 =	smov.u32 s10;
	[sflag:s16] =	ssyncset.done @!p1 $0x0;
	s10 =	smov.u32 s15  }
0x1b: {  	s12 =	sadd.s32 $0x1, s12;
	[sflag:s16] =	ssyncadd.s32 @!p1 $0xFFFFE000;
	s11 =	smov.u32 s17  }
.LBB1_1:
0x1c: {  	p1 =	sge.u32 s12, s5  }
0x1d: {  	s15 =	sand.u32 @!p1 $0x1FFFFFF, s10  }
0x1e: {  	s16 =	smulhi.u32 @!p1 $0x147AE15, s15;
	_ =	sdelay $0x1  }
0x1f: {  	s16 =	smul.u32 @!p1 $0xC8, s16  }
0x20: {  	s17 =	sxor.u32 @!p1 $0xFFFFFFFF, s12;
	s18 =	smul.u32 @!p1 $0xC80, s11  }
0x21: {  	s31 =	sadd.s32 $0xFFFFFFFF, s12;
	s17 =	sshll.u32 @!p1 s17, $0xD;
	s15 =	ssub.s32 @!p1 s15, s16  }
0x22: {  	s16 =	sand.u32 @!p1 $0x2000, s17;
	s17 =	sadd.s32 @!p1 s6, s18;
	s15 =	sshll.u32 @!p1 s15, $0x4  }
0x23: {  	s18 =	simm.s32 @!p1 $0x6400;
	s15 =	sadd.s32 @!p1 s15, s17;
	s17 =	simm.s32 @!p1 $0x40  }
0x24: {  	[tilespmem:s16], [sflag:$0x1] =	stream.strided.gather @!p1 [hbm4b:s15+s17], $0x2000, s18, s17, $0x38;
	[tilespmem:$0x8080] =	vst v63  }
0x25: {  	p1 =	sge.u32 s31, s5  }
.Ltmp2:
0x26: {  	_ = 	snop;
	(pc) =	sbr.rel @p1 .LBB1_5-.Ltmp2, $1  }
0x27: {  	_ =	sdelay $0x3  }
0x28: {  	s15 =	simm.s32 $0x1  }
0x29: {  	_ =	swait.ge [sflag:s4], $0x2000;
	s15 =	simm.s32 @!p0 $0x0  }
0x2a: {  	[sflag:s4] =	ssyncset.done $0x0;
	s16 =	sshll.u32 s15, $0xD  }
0x2b: {  	[sflag:s4] =	ssyncadd.s32 $0xFFFFE000;
	s19 =	sor.u32 $0x20, s16  }
0x2c: {  	s15 =	smul.u32 $0x8100, s15;
	v3 =	vld [tilespmem:s19+$0x10]  }
0x2d: {  	s30 =	sand.u32 $0x1, s12;
	v2 =	vld [tilespmem:s19+$0xFFFFFFF0]  }
0x2e: {  	s16 =	smul.u32 $0x8100, s30;
	s15 =	sshrl.u32 s15, $0x2;
	v0 =	vld [tilespmem:s19+$0x0]  }
0x2f: {  	v1 =	vld [tilespmem:s19+$0xFFFFFFE0];
	s17 =	sor.u32 $0x4000, s15  }
0x30: {  	s31 =	sshrl.u32 s16, $0x2;
	s16 =	sadd.s32 $0x0, s17  }
0x31: {  	s18 =	simm.s32 $0x4;
	s19 =	sadd.s32 $0x40, s19;
	s15 =	sor.u32 $0x4000, s31;
	[tilespmem:s16+$0x1830 ss:$0x81] =	vst.msk $0xffff, v3  }
.LBB1_3:
0x32: {  	v3 =	vld [tilespmem:s19+$0x10];
	p1 =	sne.s32 s18, $0x1FC;
	[tilespmem:s16+$0x810 ss:$0x81] =	vst.msk $0xffff, v2;
	s20 =	smov.u32 s18;
	s18 =	sadd.s32 $0x4, s18  }
.Ltmp3:
0x33: {  	v2 =	vld [tilespmem:s19+$0xFFFFFFF0];
	[tilespmem:s16+$0x1020 ss:$0x81] =	vst.msk $0xffff, v0;
	(pc) =	sbr.rel @p1 .LBB1_3-.Ltmp3, $4  }
0x34: {  	v0 =	vld [tilespmem:s19+$0x0];
	[tilespmem:s16+$0x0 ss:$0x81] =	vst.msk $0xffff, v1  }
0x35: {  	s16 =	sshra.s32 s20, $0x2;
	v1 =	vld [tilespmem:s19+$0xFFFFFFE0]  }
0x36: {  	s16 =	sadd.s32 s16, s17  }
0x37: {  	s19 =	sadd.s32 $0x40, s19;
	[tilespmem:s16+$0x1830 ss:$0x81] =	vst.msk $0xffff, v3  }
.Ltmp4:
0x38: {  	_ = 	snop;
	(pc) =	sbr.rel .LBB1_4-.Ltmp4, $1  }
0x39: {  	_ =	sdelay $0x3  }
.LBB1_6:
0x3a: {  	_ =	sfence.sel $0x180000  }
0x3b: {  	s2 =	simm.s32 $0x1;
	[bflag:$0x0] =	sbarrier.arrive $0xFFFF  }
0x3c: {  	s31 =	simm.s32 $0x2;
	[sflag:s2] =	ssyncpa.u1 $0x1  }
0x3d: {  	[sflag:s31] =	ssyncpa.u1 $0x1  }
0x3e: {  	p0 =	sne.s32 s0, $0x0;
	_ =	strace $0x9000004A  }
0x3f: {  	s0 =	sadd.s32 @!p0 $0x100000, s1;
	[bflag:$0x2] =	sbarrier.arrive $0xFFFF  }
0x40: {  	[sflag:s0] =	ssyncadd.tile.s32 @!p0 $0x1;
	_ =	shalt  }
.Lfunc_end1:
_tile_overlayer_lowered:
.L_overlay_start_2:
0x41: {  	(tag) =	ssettag $0x2  }
0x42: {  	s0 =	rddreg [dreg:$0x0];
	s2 =	stileid.u32  }
0x43: {  	s1 =	rddreg [dreg:$0x1];
	p0 =	sne.s32 s2, $0x0  }
0x44: {  	s3 =	rddreg [dreg:$0x2];
	[bflag:$0x3] =	sbarrier.arrive $0xFFFF;
	s2 =	simm.s32 @!p0 $0x1C01  }
0x45: {  	[timem:s3], [sflag:s2] =	dma.local @!p0 [hbm:s0], s1  }
0x46: {  	s0 =	simm.s32 @!p0 $0x1  }
0x47: {  	_ =	swait.ge @!p0 [sflag:s0], s1  }
0x48: {  	s1 =	ssub.s32 @!p0 $0x0, s1;
	[sflag:s0] =	ssyncset.done @!p0 $0x0  }
0x49: {  	[sflag:s0] =	ssyncadd.s32 @!p0 s1  }
0x4a: {  	[bflag:$0x3] =	sbarrier.arrive $0xFFFF  }
0x4b: {  	_ =	shalt  }

</sc_bundles>
